<compile_context>
chip_gen: v7x
topology: tpu7x:2x2x1
jax: 0.10.2.dev20260603
libtpu: 0.0.44.dev20260713+nightly
codegen_flags: <defaults>
</compile_context>

<pallas_src>
import jax
import jax.numpy as jnp
from jax import lax
from jax.experimental import pallas as pl
from jax.experimental.pallas import tpu as pltpu
from jax.experimental.pallas import tpu_sc as plsc

NUM_ROWS = 1000000
DIM = 64
BATCH = 4096
HIST = 200

NC = 2
NS = 16
NW = NC * NS
LANES = 16

TOTAL = BATCH * HIST
ROWS_PER_W = TOTAL // NW
CHUNK = 128
NCHUNK = ROWS_PER_W // CHUNK
NBUF = 4

WROWS = TOTAL // 2
TC_BLK = 4096


def _sc_body(table_hbm, idx_hbm, out_hbm, idx_v,
             rows_bufs, cast_bufs, gsems, osems):
    wid = lax.axis_index("s") * NC + lax.axis_index("c")
    row0 = wid * ROWS_PER_W
    wrow0 = row0 // 2

    pltpu.sync_copy(idx_hbm.at[pl.ds(row0, ROWS_PER_W)], idx_v)


    def gather_copy(j, b):
        return pltpu.make_async_copy(
            table_hbm.at[idx_v.at[pl.ds(j * CHUNK, CHUNK)]], rows_bufs[b],
            gsems[b])

    def out_copy(j, b):
        return pltpu.make_async_copy(
            cast_bufs[b],
            out_hbm.at[pl.ds(wrow0 + j * (CHUNK // 2), CHUNK // 2)],
            osems[b])

    for b in range(NBUF):
        gather_copy(b, b).start()

    def outer(j0, carry):
        for b in range(NBUF):
            j = j0 * NBUF + b
            gather_copy(j, b).wait()

            @pl.when(j0 > 0)
            def _wait_prev_out():
                out_copy(j - NBUF, b).wait()

            src = rows_bufs[b]
            dst = cast_bufs[b]

            @plsc.parallel_loop(0, CHUNK // 2, unroll=8)
            def cast_pair(r2, src=src, dst=dst):
                r = r2 * 2
                for cc in range(0, DIM, LANES):
                    a = src[r, pl.ds(cc, LANES)]
                    bb = src[r + 1, pl.ds(cc, LANES)]
                    w = plsc.pack(a, bb, format=plsc.PackFormat.INTERLEAVED)
                    dst[r2, pl.ds(cc, LANES)] = plsc.bitcast(w, jnp.int32)

            out_copy(j, b).start()

            @pl.when(j0 < NCHUNK // NBUF - 1)
            def _next_gather():
                gather_copy(j + NBUF, b).start()
        return carry

    lax.fori_loop(0, NCHUNK // NBUF, outer, 0)

    for b in range(NBUF):
        out_copy(NCHUNK - NBUF + b, b).wait()


def _tc_repack(w_ref, out_ref):
    x = w_ref[...]
    y = pltpu.bitcast(x, jnp.bfloat16)
    out_ref[...] = y[:, :DIM]


@jax.jit
def _embed(indices, table):
    run = pl.kernel(
        _sc_body,
        out_type=jax.ShapeDtypeStruct((WROWS, 2 * DIM), jnp.int32),
        mesh=plsc.VectorSubcoreMesh(core_axis_name="c", subcore_axis_name="s"),
        compiler_params=pltpu.CompilerParams(
            needs_layout_passes=False, use_tc_tiling_on_sc=False),
        scratch_types=[
            pltpu.VMEM((ROWS_PER_W,), jnp.int32),
            [pltpu.VMEM((CHUNK, DIM), jnp.float32) for _ in range(NBUF)],
            [pltpu.VMEM((CHUNK // 2, 2 * DIM), jnp.int32) for _ in range(NBUF)],
            [pltpu.SemaphoreType.DMA for _ in range(NBUF)],
            [pltpu.SemaphoreType.DMA for _ in range(NBUF)],
        ],
    )
    words = run(table, indices.reshape(-1))

    out = pl.pallas_call(
        _tc_repack,
        out_shape=jax.ShapeDtypeStruct((TOTAL, DIM), jnp.bfloat16),
        grid=(WROWS // TC_BLK,),
        in_specs=[pl.BlockSpec((TC_BLK, 2 * DIM), lambda i: (i, 0))],
        out_specs=pl.BlockSpec((2 * TC_BLK, DIM), lambda i: (i, 0)),
    )(words)
    return out.reshape(BATCH, HIST, DIM)


def kernel(input, embedding_weight):
    return _embed(input, embedding_weight)

# --- scband reference (transcript-rebuilt; emitter-appended) ---
"""Pipeline reference for scband-casted-embedding-1829656068686 (READ-ONLY COPY).

The authoritative reference and input builder live on the scoring server;
editing this copy changes nothing except your own understanding.
"""

import jax, jax.numpy as jnp
import numpy as np

NUM_EMBEDDINGS = 1000000
EMBEDDING_DIM = 64
INIT_STD = 0.02
BATCH = 4096
HIST = 200


def _trunc_normal(key, shape, std):
    # approximate trunc_normal_(std=std) with +/-2*std truncation via clipping
    x = jax.random.truncated_normal(key, -2.0, 2.0, shape, dtype=jnp.float32) * std
    return x


def setup_inputs(seed: int = 0) -> dict:
    key = jax.random.key(seed)
    k1, k2 = jax.random.split(key)
    indices = jax.random.randint(k1, (BATCH, HIST), 0, NUM_EMBEDDINGS, dtype=jnp.int32)
    embedding_weight = _trunc_normal(k2, (NUM_EMBEDDINGS, EMBEDDING_DIM), INIT_STD)
    return {"input": indices, "embedding_weight": embedding_weight}


def reference(input, embedding_weight):
    # CastedEmbedding.forward: F.embedding(input, weight.to(bfloat16))
    w = embedding_weight.astype(jnp.bfloat16)
    return jnp.take(w, input, axis=0)

if __name__ == "__main__":
    import jax
    _d = setup_inputs()
    print(jax.jit(kernel)(*tuple(_d.values())))

</pallas_src>

<mosaic_0001>
#map = affine_map<(d0, d1) -> (0, 0)>
#map1 = affine_map<(d0, d1) -> (0)>
module attributes {stable_mosaic.version = 14 : i64} {
  func.func @_sc_body(%arg0: i32, %arg1: i32, %arg2: memref<1000000x64xf32, #tpu.memory_space<hbm>>, %arg3: memref<819200xi32, #tpu.memory_space<hbm>>, %arg4: memref<409600x128xi32, #tpu.memory_space<hbm>>, %arg5: memref<25600xi32, #tpu.memory_space<vmem>>, %arg6: memref<128x64xf32, #tpu.memory_space<vmem>>, %arg7: memref<128x64xf32, #tpu.memory_space<vmem>>, %arg8: memref<128x64xf32, #tpu.memory_space<vmem>>, %arg9: memref<128x64xf32, #tpu.memory_space<vmem>>, %arg10: memref<64x128xi32, #tpu.memory_space<vmem>>, %arg11: memref<64x128xi32, #tpu.memory_space<vmem>>, %arg12: memref<64x128xi32, #tpu.memory_space<vmem>>, %arg13: memref<64x128xi32, #tpu.memory_space<vmem>>, %arg14: memref<!tpu.dma_semaphore, #tpu.memory_space<semaphore_mem>>, %arg15: memref<!tpu.dma_semaphore, #tpu.memory_space<semaphore_mem>>, %arg16: memref<!tpu.dma_semaphore, #tpu.memory_space<semaphore_mem>>, %arg17: memref<!tpu.dma_semaphore, #tpu.memory_space<semaphore_mem>>, %arg18: memref<!tpu.dma_semaphore, #tpu.memory_space<semaphore_mem>>, %arg19: memref<!tpu.dma_semaphore, #tpu.memory_space<semaphore_mem>>, %arg20: memref<!tpu.dma_semaphore, #tpu.memory_space<semaphore_mem>>, %arg21: memref<!tpu.dma_semaphore, #tpu.memory_space<semaphore_mem>>) attributes {dimension_semantics = [#tpu.dimension_semantics<core_parallel>, #tpu.dimension_semantics<subcore_parallel>], iteration_bounds = array<i64: 2, 16>, scalar_prefetch = 0 : i64, scratch_operands = 17 : i64, tpu.core_type = #tpu.core_type<sc_vector_subcore>, window_params = [{transform_indices = #map}, {transform_indices = #map1}, {transform_indices = #map}]} {
    %mul3A = arith.constant 2 : i32
    %mul3A_0 = arith.muli %arg1, %mul3A : i32
    %add3A = arith.addi %mul3A_0, %arg0 : i32
    %mul3A_1 = arith.constant 25600 : i32
    %mul3A_2 = arith.muli %add3A, %mul3A_1 : i32
    %jit3A = arith.constant 2 : i32
    %div3A = arith.divsi %mul3A_2, %jit3A : i32
    %sign3A = arith.constant 0 : i32
    %sign3A_3 = arith.cmpi sgt, %mul3A_2, %sign3A : i32
    %sign3A_4 = arith.extui %sign3A_3 : i1 to i32
    %sign3A_5 = arith.constant 0 : i32
    %sign3A_6 = arith.cmpi slt, %mul3A_2, %sign3A_5 : i32
    %sign3A_7 = arith.extui %sign3A_6 : i1 to i32
    %sign3A_8 = arith.subi %sign3A_4, %sign3A_7 : i32
    %sign3A_9 = arith.constant 0 : i32
    %sign3A_10 = arith.cmpi sgt, %jit3A, %sign3A_9 : i32
    %sign3A_11 = arith.extui %sign3A_10 : i1 to i32
    %sign3A_12 = arith.constant 0 : i32
    %sign3A_13 = arith.cmpi slt, %jit3A, %sign3A_12 : i32
    %sign3A_14 = arith.extui %sign3A_13 : i1 to i32
    %sign3A_15 = arith.subi %sign3A_11, %sign3A_14 : i32
    %ne3A = arith.cmpi ne, %sign3A_8, %sign3A_15 : i32
    %rem3A = arith.remsi %mul3A_2, %jit3A : i32
    %ne3A_16 = arith.constant 0 : i32
    %ne3A_17 = arith.cmpi ne, %rem3A, %ne3A_16 : i32
    %and3A = arith.andi %ne3A, %ne3A_17 : i1
    %sub3A = arith.constant 1 : i32
    %sub3A_18 = arith.subi %div3A, %sub3A : i32
    %select_n3A = arith.select %and3A, %sub3A_18, %div3A : i32
    "tpu.region"() ({
      %run_scoped3A = tpu.sem_alloc : memref<!tpu.dma_semaphore, #tpu.memory_space<semaphore_mem>>
      %dma_start3A_66 = tpu.memref_slice %arg3[%mul3A_2] : memref<819200xi32, #tpu.memory_space<hbm>> -> memref<25600xi32, #tpu.memory_space<hbm>>
      %dma_start3A_67 = tpu.memref_slice %arg3[%mul3A_2] : memref<819200xi32, #tpu.memory_space<hbm>> -> memref<25600xi32, #tpu.memory_space<hbm>>
      tpu.enqueue_dma source(%dma_start3A_67 : memref<25600xi32, #tpu.memory_space<hbm>>) target(%arg5 : memref<25600xi32, #tpu.memory_space<vmem>>) target_semaphore(%run_scoped3A : memref<!tpu.dma_semaphore, #tpu.memory_space<semaphore_mem>>)
      %dma_wait3A_68 = tpu.memref_slice %arg3[%mul3A_2] : memref<819200xi32, #tpu.memory_space<hbm>> -> memref<25600xi32, #tpu.memory_space<hbm>>
      %dma_wait3A_69 = tpu.memref_slice %arg3[%mul3A_2] : memref<819200xi32, #tpu.memory_space<hbm>> -> memref<25600xi32, #tpu.memory_space<hbm>>
      tpu.wait_dma2 semaphore(%run_scoped3A : memref<!tpu.dma_semaphore, #tpu.memory_space<semaphore_mem>>) src(%dma_wait3A_69 : memref<25600xi32, #tpu.memory_space<hbm>>) dst(%arg5 : memref<25600xi32, #tpu.memory_space<vmem>>)
      tpu.yield
    }) : () -> ()
    %dma_start3A = arith.constant 0 : i32
    %dma_start3A_19 = tpu.memref_slice %arg5[%dma_start3A] : memref<25600xi32, #tpu.memory_space<vmem>> -> memref<128xi32, #tpu.memory_space<vmem>>
    %dma_start3A_20 = arith.constant 0 : i32
    %dma_start3A_21 = arith.constant 0 : i32
    %dma_start3A_22 = tpu.memref_slice %arg2[%dma_start3A_20, %dma_start3A_21] : memref<1000000x64xf32, #tpu.memory_space<hbm>> -> memref<1000000x64xf32, #tpu.memory_space<hbm>>
    tpu.enqueue_indirect_dma source(%dma_start3A_22 : memref<1000000x64xf32, #tpu.memory_space<hbm>>) target(%arg6 : memref<128x64xf32, #tpu.memory_space<vmem>>) offsets(%dma_start3A_19 : memref<128xi32, #tpu.memory_space<vmem>>) semaphore(%arg14 : memref<!tpu.dma_semaphore, #tpu.memory_space<semaphore_mem>>)
    %dma_start3A_23 = arith.constant 128 : i32
    %dma_start3A_24 = tpu.memref_slice %arg5[%dma_start3A_23] : memref<25600xi32, #tpu.memory_space<vmem>> -> memref<128xi32, #tpu.memory_space<vmem>>
    %dma_start3A_25 = arith.constant 0 : i32
    %dma_start3A_26 = arith.constant 0 : i32
    %dma_start3A_27 = tpu.memref_slice %arg2[%dma_start3A_25, %dma_start3A_26] : memref<1000000x64xf32, #tpu.memory_space<hbm>> -> memref<1000000x64xf32, #tpu.memory_space<hbm>>
    tpu.enqueue_indirect_dma source(%dma_start3A_27 : memref<1000000x64xf32, #tpu.memory_space<hbm>>) target(%arg7 : memref<128x64xf32, #tpu.memory_space<vmem>>) offsets(%dma_start3A_24 : memref<128xi32, #tpu.memory_space<vmem>>) semaphore(%arg15 : memref<!tpu.dma_semaphore, #tpu.memory_space<semaphore_mem>>)
    %dma_start3A_28 = arith.constant 256 : i32
    %dma_start3A_29 = tpu.memref_slice %arg5[%dma_start3A_28] : memref<25600xi32, #tpu.memory_space<vmem>> -> memref<128xi32, #tpu.memory_space<vmem>>
    %dma_start3A_30 = arith.constant 0 : i32
    %dma_start3A_31 = arith.constant 0 : i32
    %dma_start3A_32 = tpu.memref_slice %arg2[%dma_start3A_30, %dma_start3A_31] : memref<1000000x64xf32, #tpu.memory_space<hbm>> -> memref<1000000x64xf32, #tpu.memory_space<hbm>>
    tpu.enqueue_indirect_dma source(%dma_start3A_32 : memref<1000000x64xf32, #tpu.memory_space<hbm>>) target(%arg8 : memref<128x64xf32, #tpu.memory_space<vmem>>) offsets(%dma_start3A_29 : memref<128xi32, #tpu.memory_space<vmem>>) semaphore(%arg16 : memref<!tpu.dma_semaphore, #tpu.memory_space<semaphore_mem>>)
    %dma_start3A_33 = arith.constant 384 : i32
    %dma_start3A_34 = tpu.memref_slice %arg5[%dma_start3A_33] : memref<25600xi32, #tpu.memory_space<vmem>> -> memref<128xi32, #tpu.memory_space<vmem>>
    %dma_start3A_35 = arith.constant 0 : i32
    %dma_start3A_36 = arith.constant 0 : i32
    %dma_start3A_37 = tpu.memref_slice %arg2[%dma_start3A_35, %dma_start3A_36] : memref<1000000x64xf32, #tpu.memory_space<hbm>> -> memref<1000000x64xf32, #tpu.memory_space<hbm>>
    tpu.enqueue_indirect_dma source(%dma_start3A_37 : memref<1000000x64xf32, #tpu.memory_space<hbm>>) target(%arg9 : memref<128x64xf32, #tpu.memory_space<vmem>>) offsets(%dma_start3A_34 : memref<128xi32, #tpu.memory_space<vmem>>) semaphore(%arg17 : memref<!tpu.dma_semaphore, #tpu.memory_space<semaphore_mem>>)
    %scan3A = arith.constant 0 : i32
    %scan3A_38 = arith.constant 0 : i32
    %scan3A_39 = arith.constant 50 : i32
    %scan3A_40 = arith.addi %scan3A_38, %scan3A_39 : i32
    %scan3A_41 = arith.constant 1 : i32
    scf.for %scan3A_66 = %scan3A_38 to %scan3A_40 step %scan3A_41  : i32 {
      %mul3A_67 = arith.constant 4 : i32
      %mul3A_68 = arith.muli %scan3A_66, %mul3A_67 : i32
      %add3A_69 = arith.constant 0 : i32
      %add3A_70 = arith.addi %mul3A_68, %add3A_69 : i32
      %mul3A_71 = arith.constant 128 : i32
      %mul3A_72 = arith.muli %add3A_70, %mul3A_71 : i32
      %dma_wait3A_73 = tpu.memref_slice %arg5[%mul3A_72] : memref<25600xi32, #tpu.memory_space<vmem>> -> memref<128xi32, #tpu.memory_space<vmem>>
      %dma_wait3A_74 = arith.constant 0 : i32
      %dma_wait3A_75 = arith.constant 0 : i32
      %dma_wait3A_76 = tpu.memref_slice %arg2[%dma_wait3A_74, %dma_wait3A_75] : memref<1000000x64xf32, #tpu.memory_space<hbm>> -> memref<1000000x64xf32, #tpu.memory_space<hbm>>
      tpu.wait_indirect_dma semaphore(%arg14 : memref<!tpu.dma_semaphore, #tpu.memory_space<semaphore_mem>>) src(%dma_wait3A_76 : memref<1000000x64xf32, #tpu.memory_space<hbm>>) dst(%arg6 : memref<128x64xf32, #tpu.memory_space<vmem>>)
      %gt3A = arith.constant 0 : i32
      %gt3A_77 = arith.cmpi sgt, %scan3A_66, %gt3A : i32
      %convert_element_type3A = arith.extui %gt3A_77 : i1 to i32
      %cond3A = arith.constant 0 : i32
      %cond3A_78 = arith.cmpi ne, %convert_element_type3A, %cond3A : i32
      scf.if %cond3A_78 {
        %sub3A_182 = arith.constant 4 : i32
        %sub3A_183 = arith.subi %add3A_70, %sub3A_182 : i32
        %mul3A_184 = arith.constant 64 : i32
        %mul3A_185 = arith.muli %sub3A_183, %mul3A_184 : i32
        %add3A_186 = arith.addi %select_n3A, %mul3A_185 : i32
        %dma_wait3A_187 = arith.constant 0 : i32
        %dma_wait3A_188 = tpu.memref_slice %arg4[%add3A_186, %dma_wait3A_187] : memref<409600x128xi32, #tpu.memory_space<hbm>> -> memref<64x128xi32, #tpu.memory_space<hbm>>
        %dma_wait3A_189 = arith.constant 0 : i32
        %dma_wait3A_190 = tpu.memref_slice %arg4[%add3A_186, %dma_wait3A_189] : memref<409600x128xi32, #tpu.memory_space<hbm>> -> memref<64x128xi32, #tpu.memory_space<hbm>>
        tpu.wait_dma2 semaphore(%arg18 : memref<!tpu.dma_semaphore, #tpu.memory_space<semaphore_mem>>) src(%arg10 : memref<64x128xi32, #tpu.memory_space<vmem>>) dst(%dma_wait3A_190 : memref<64x128xi32, #tpu.memory_space<hbm>>)
      } else {
      }
      %parallel_loop3A = arith.constant 0 : i32
      %parallel_loop3A_79 = arith.constant 64 : i32
      %parallel_loop3A_80 = arith.constant 1 : i32
      scf.for %parallel_loop3A_182 = %parallel_loop3A to %parallel_loop3A_79 step %parallel_loop3A_80  : i32 {
        %parallel_loop3A_183 = arith.constant 2 : i32
        %parallel_loop3A_184 = arith.muli %parallel_loop3A_182, %parallel_loop3A_183 : i32
        %parallel_loop3A_185 = arith.index_cast %parallel_loop3A_184 : i32 to index
        %parallel_loop3A_186 = arith.constant 0 : index
        %parallel_loop3A_187 = tpu.vector_load %arg6[%parallel_loop3A_185, %parallel_loop3A_186] {strides = array<i32>} : memref<128x64xf32, #tpu.memory_space<vmem>>, vector<16xf32>,
        %parallel_loop3A_188 = arith.constant 1 : i32
        %parallel_loop3A_189 = arith.addi %parallel_loop3A_184, %parallel_loop3A_188 : i32
        %parallel_loop3A_190 = arith.index_cast %parallel_loop3A_189 : i32 to index
        %parallel_loop3A_191 = arith.constant 0 : index
        %parallel_loop3A_192 = tpu.vector_load %arg6[%parallel_loop3A_190, %parallel_loop3A_191] {strides = array<i32>} : memref<128x64xf32, #tpu.memory_space<vmem>>, vector<16xf32>,
        %parallel_loop3A_193 = tpu.pack_subelements %parallel_loop3A_187, %parallel_loop3A_192 {pack_format = #tpu.pack_format<interleaved>, positions = array<i32: 0, 1>} : vector<16xf32>, vector<16xf32> -> vector<32xbf16>
        %parallel_loop3A_194 = vector.bitcast %parallel_loop3A_193 : vector<32xbf16> to vector<16xi32>
        %parallel_loop3A_195 = arith.index_cast %parallel_loop3A_182 : i32 to index
        %parallel_loop3A_196 = arith.constant 0 : index
        %parallel_loop3A_197 = tpu.vector_load %arg10[%parallel_loop3A_195, %parallel_loop3A_196] {strides = array<i32>} : memref<64x128xi32, #tpu.memory_space<vmem>>, vector<16xi32>,
        tpu.vector_store %arg10[%parallel_loop3A_195, %parallel_loop3A_196], %parallel_loop3A_194 {strides = array<i32>} : memref<64x128xi32, #tpu.memory_space<vmem>>, vector<16xi32>,
        %parallel_loop3A_198 = arith.index_cast %parallel_loop3A_184 : i32 to index
        %parallel_loop3A_199 = arith.constant 16 : index
        %parallel_loop3A_200 = tpu.vector_load %arg6[%parallel_loop3A_198, %parallel_loop3A_199] {strides = array<i32>} : memref<128x64xf32, #tpu.memory_space<vmem>>, vector<16xf32>,
        %parallel_loop3A_201 = arith.constant 1 : i32
        %parallel_loop3A_202 = arith.addi %parallel_loop3A_184, %parallel_loop3A_201 : i32
        %parallel_loop3A_203 = arith.index_cast %parallel_loop3A_202 : i32 to index
        %parallel_loop3A_204 = arith.constant 16 : index
        %parallel_loop3A_205 = tpu.vector_load %arg6[%parallel_loop3A_203, %parallel_loop3A_204] {strides = array<i32>} : memref<128x64xf32, #tpu.memory_space<vmem>>, vector<16xf32>,
        %parallel_loop3A_206 = tpu.pack_subelements %parallel_loop3A_200, %parallel_loop3A_205 {pack_format = #tpu.pack_format<interleaved>, positions = array<i32: 0, 1>} : vector<16xf32>, vector<16xf32> -> vector<32xbf16>
        %parallel_loop3A_207 = vector.bitcast %parallel_loop3A_206 : vector<32xbf16> to vector<16xi32>
        %parallel_loop3A_208 = arith.index_cast %parallel_loop3A_182 : i32 to index
        %parallel_loop3A_209 = arith.constant 16 : index
        %parallel_loop3A_210 = tpu.vector_load %arg10[%parallel_loop3A_208, %parallel_loop3A_209] {strides = array<i32>} : memref<64x128xi32, #tpu.memory_space<vmem>>, vector<16xi32>,
        tpu.vector_store %arg10[%parallel_loop3A_208, %parallel_loop3A_209], %parallel_loop3A_207 {strides = array<i32>} : memref<64x128xi32, #tpu.memory_space<vmem>>, vector<16xi32>,
        %parallel_loop3A_211 = arith.index_cast %parallel_loop3A_184 : i32 to index
        %parallel_loop3A_212 = arith.constant 32 : index
        %parallel_loop3A_213 = tpu.vector_load %arg6[%parallel_loop3A_211, %parallel_loop3A_212] {strides = array<i32>} : memref<128x64xf32, #tpu.memory_space<vmem>>, vector<16xf32>,
        %parallel_loop3A_214 = arith.constant 1 : i32
        %parallel_loop3A_215 = arith.addi %parallel_loop3A_184, %parallel_loop3A_214 : i32
        %parallel_loop3A_216 = arith.index_cast %parallel_loop3A_215 : i32 to index
        %parallel_loop3A_217 = arith.constant 32 : index
        %parallel_loop3A_218 = tpu.vector_load %arg6[%parallel_loop3A_216, %parallel_loop3A_217] {strides = array<i32>} : memref<128x64xf32, #tpu.memory_space<vmem>>, vector<16xf32>,
        %parallel_loop3A_219 = tpu.pack_subelements %parallel_loop3A_213, %parallel_loop3A_218 {pack_format = #tpu.pack_format<interleaved>, positions = array<i32: 0, 1>} : vector<16xf32>, vector<16xf32> -> vector<32xbf16>
        %parallel_loop3A_220 = vector.bitcast %parallel_loop3A_219 : vector<32xbf16> to vector<16xi32>
        %parallel_loop3A_221 = arith.index_cast %parallel_loop3A_182 : i32 to index
        %parallel_loop3A_222 = arith.constant 32 : index
        %parallel_loop3A_223 = tpu.vector_load %arg10[%parallel_loop3A_221, %parallel_loop3A_222] {strides = array<i32>} : memref<64x128xi32, #tpu.memory_space<vmem>>, vector<16xi32>,
        tpu.vector_store %arg10[%parallel_loop3A_221, %parallel_loop3A_222], %parallel_loop3A_220 {strides = array<i32>} : memref<64x128xi32, #tpu.memory_space<vmem>>, vector<16xi32>,
        %parallel_loop3A_224 = arith.index_cast %parallel_loop3A_184 : i32 to index
        %parallel_loop3A_225 = arith.constant 48 : index
        %parallel_loop3A_226 = tpu.vector_load %arg6[%parallel_loop3A_224, %parallel_loop3A_225] {strides = array<i32>} : memref<128x64xf32, #tpu.memory_space<vmem>>, vector<16xf32>,
        %parallel_loop3A_227 = arith.constant 1 : i32
        %parallel_loop3A_228 = arith.addi %parallel_loop3A_184, %parallel_loop3A_227 : i32
        %parallel_loop3A_229 = arith.index_cast %parallel_loop3A_228 : i32 to index
        %parallel_loop3A_230 = arith.constant 48 : index
        %parallel_loop3A_231 = tpu.vector_load %arg6[%parallel_loop3A_229, %parallel_loop3A_230] {strides = array<i32>} : memref<128x64xf32, #tpu.memory_space<vmem>>, vector<16xf32>,
        %parallel_loop3A_232 = tpu.pack_subelements %parallel_loop3A_226, %parallel_loop3A_231 {pack_format = #tpu.pack_format<interleaved>, positions = array<i32: 0, 1>} : vector<16xf32>, vector<16xf32> -> vector<32xbf16>
        %parallel_loop3A_233 = vector.bitcast %parallel_loop3A_232 : vector<32xbf16> to vector<16xi32>
        %parallel_loop3A_234 = arith.index_cast %parallel_loop3A_182 : i32 to index
        %parallel_loop3A_235 = arith.constant 48 : index
        %parallel_loop3A_236 = tpu.vector_load %arg10[%parallel_loop3A_234, %parallel_loop3A_235] {strides = array<i32>} : memref<64x128xi32, #tpu.memory_space<vmem>>, vector<16xi32>,
        tpu.vector_store %arg10[%parallel_loop3A_234, %parallel_loop3A_235], %parallel_loop3A_233 {strides = array<i32>} : memref<64x128xi32, #tpu.memory_space<vmem>>, vector<16xi32>,
      } {sc.loop_unroll_factor = 8 : i64, sc.parallel_access}
      %mul3A_81 = arith.constant 64 : i32
      %mul3A_82 = arith.muli %add3A_70, %mul3A_81 : i32
      %add3A_83 = arith.addi %select_n3A, %mul3A_82 : i32
      %dma_start3A_84 = arith.constant 0 : i32
      %dma_start3A_85 = tpu.memref_slice %arg4[%add3A_83, %dma_start3A_84] : memref<409600x128xi32, #tpu.memory_space<hbm>> -> memref<64x128xi32, #tpu.memory_space<hbm>>
      %dma_start3A_86 = arith.constant 0 : i32
      %dma_start3A_87 = tpu.memref_slice %arg4[%add3A_83, %dma_start3A_86] : memref<409600x128xi32, #tpu.memory_space<hbm>> -> memref<64x128xi32, #tpu.memory_space<hbm>>
      tpu.enqueue_dma source(%arg10 : memref<64x128xi32, #tpu.memory_space<vmem>>) target(%dma_start3A_87 : memref<64x128xi32, #tpu.memory_space<hbm>>) target_semaphore(%arg18 : memref<!tpu.dma_semaphore, #tpu.memory_space<semaphore_mem>>)
      %lt3A = arith.constant 49 : i32
      %lt3A_88 = arith.cmpi slt, %scan3A_66, %lt3A : i32
      %convert_element_type3A_89 = arith.extui %lt3A_88 : i1 to i32
      %cond3A_90 = arith.constant 0 : i32
      %cond3A_91 = arith.cmpi ne, %convert_element_type3A_89, %cond3A_90 : i32
      scf.if %cond3A_91 {
        %add3A_182 = arith.constant 4 : i32
        %add3A_183 = arith.addi %add3A_70, %add3A_182 : i32
        %mul3A_184 = arith.constant 128 : i32
        %mul3A_185 = arith.muli %add3A_183, %mul3A_184 : i32
        %dma_start3A_186 = tpu.memref_slice %arg5[%mul3A_185] : memref<25600xi32, #tpu.memory_space<vmem>> -> memref<128xi32, #tpu.memory_space<vmem>>
        %dma_start3A_187 = arith.constant 0 : i32
        %dma_start3A_188 = arith.constant 0 : i32
        %dma_start3A_189 = tpu.memref_slice %arg2[%dma_start3A_187, %dma_start3A_188] : memref<1000000x64xf32, #tpu.memory_space<hbm>> -> memref<1000000x64xf32, #tpu.memory_space<hbm>>
        tpu.enqueue_indirect_dma source(%dma_start3A_189 : memref<1000000x64xf32, #tpu.memory_space<hbm>>) target(%arg6 : memref<128x64xf32, #tpu.memory_space<vmem>>) offsets(%dma_start3A_186 : memref<128xi32, #tpu.memory_space<vmem>>) semaphore(%arg14 : memref<!tpu.dma_semaphore, #tpu.memory_space<semaphore_mem>>)
      } else {
      }
      %mul3A_92 = arith.constant 4 : i32
      %mul3A_93 = arith.muli %scan3A_66, %mul3A_92 : i32
      %add3A_94 = arith.constant 1 : i32
      %add3A_95 = arith.addi %mul3A_93, %add3A_94 : i32
      %mul3A_96 = arith.constant 128 : i32
      %mul3A_97 = arith.muli %add3A_95, %mul3A_96 : i32
      %dma_wait3A_98 = tpu.memref_slice %arg5[%mul3A_97] : memref<25600xi32, #tpu.memory_space<vmem>> -> memref<128xi32, #tpu.memory_space<vmem>>
      %dma_wait3A_99 = arith.constant 0 : i32
      %dma_wait3A_100 = arith.constant 0 : i32
      %dma_wait3A_101 = tpu.memref_slice %arg2[%dma_wait3A_99, %dma_wait3A_100] : memref<1000000x64xf32, #tpu.memory_space<hbm>> -> memref<1000000x64xf32, #tpu.memory_space<hbm>>
      tpu.wait_indirect_dma semaphore(%arg15 : memref<!tpu.dma_semaphore, #tpu.memory_space<semaphore_mem>>) src(%dma_wait3A_101 : memref<1000000x64xf32, #tpu.memory_space<hbm>>) dst(%arg7 : memref<128x64xf32, #tpu.memory_space<vmem>>)
      %gt3A_102 = arith.constant 0 : i32
      %gt3A_103 = arith.cmpi sgt, %scan3A_66, %gt3A_102 : i32
      %convert_element_type3A_104 = arith.extui %gt3A_103 : i1 to i32
      %cond3A_105 = arith.constant 0 : i32
      %cond3A_106 = arith.cmpi ne, %convert_element_type3A_104, %cond3A_105 : i32
      scf.if %cond3A_106 {
        %sub3A_182 = arith.constant 4 : i32
        %sub3A_183 = arith.subi %add3A_95, %sub3A_182 : i32
        %mul3A_184 = arith.constant 64 : i32
        %mul3A_185 = arith.muli %sub3A_183, %mul3A_184 : i32
        %add3A_186 = arith.addi %select_n3A, %mul3A_185 : i32
        %dma_wait3A_187 = arith.constant 0 : i32
        %dma_wait3A_188 = tpu.memref_slice %arg4[%add3A_186, %dma_wait3A_187] : memref<409600x128xi32, #tpu.memory_space<hbm>> -> memref<64x128xi32, #tpu.memory_space<hbm>>
        %dma_wait3A_189 = arith.constant 0 : i32
        %dma_wait3A_190 = tpu.memref_slice %arg4[%add3A_186, %dma_wait3A_189] : memref<409600x128xi32, #tpu.memory_space<hbm>> -> memref<64x128xi32, #tpu.memory_space<hbm>>
        tpu.wait_dma2 semaphore(%arg19 : memref<!tpu.dma_semaphore, #tpu.memory_space<semaphore_mem>>) src(%arg11 : memref<64x128xi32, #tpu.memory_space<vmem>>) dst(%dma_wait3A_190 : memref<64x128xi32, #tpu.memory_space<hbm>>)
      } else {
      }
      %parallel_loop3A_107 = arith.constant 0 : i32
      %parallel_loop3A_108 = arith.constant 64 : i32
      %parallel_loop3A_109 = arith.constant 1 : i32
      scf.for %parallel_loop3A_182 = %parallel_loop3A_107 to %parallel_loop3A_108 step %parallel_loop3A_109  : i32 {
        %parallel_loop3A_183 = arith.constant 2 : i32
        %parallel_loop3A_184 = arith.muli %parallel_loop3A_182, %parallel_loop3A_183 : i32
        %parallel_loop3A_185 = arith.index_cast %parallel_loop3A_184 : i32 to index
        %parallel_loop3A_186 = arith.constant 0 : index
        %parallel_loop3A_187 = tpu.vector_load %arg7[%parallel_loop3A_185, %parallel_loop3A_186] {strides = array<i32>} : memref<128x64xf32, #tpu.memory_space<vmem>>, vector<16xf32>,
        %parallel_loop3A_188 = arith.constant 1 : i32
        %parallel_loop3A_189 = arith.addi %parallel_loop3A_184, %parallel_loop3A_188 : i32
        %parallel_loop3A_190 = arith.index_cast %parallel_loop3A_189 : i32 to index
        %parallel_loop3A_191 = arith.constant 0 : index
        %parallel_loop3A_192 = tpu.vector_load %arg7[%parallel_loop3A_190, %parallel_loop3A_191] {strides = array<i32>} : memref<128x64xf32, #tpu.memory_space<vmem>>, vector<16xf32>,
        %parallel_loop3A_193 = tpu.pack_subelements %parallel_loop3A_187, %parallel_loop3A_192 {pack_format = #tpu.pack_format<interleaved>, positions = array<i32: 0, 1>} : vector<16xf32>, vector<16xf32> -> vector<32xbf16>
        %parallel_loop3A_194 = vector.bitcast %parallel_loop3A_193 : vector<32xbf16> to vector<16xi32>
        %parallel_loop3A_195 = arith.index_cast %parallel_loop3A_182 : i32 to index
        %parallel_loop3A_196 = arith.constant 0 : index
        %parallel_loop3A_197 = tpu.vector_load %arg11[%parallel_loop3A_195, %parallel_loop3A_196] {strides = array<i32>} : memref<64x128xi32, #tpu.memory_space<vmem>>, vector<16xi32>,
        tpu.vector_store %arg11[%parallel_loop3A_195, %parallel_loop3A_196], %parallel_loop3A_194 {strides = array<i32>} : memref<64x128xi32, #tpu.memory_space<vmem>>, vector<16xi32>,
        %parallel_loop3A_198 = arith.index_cast %parallel_loop3A_184 : i32 to index
        %parallel_loop3A_199 = arith.constant 16 : index
        %parallel_loop3A_200 = tpu.vector_load %arg7[%parallel_loop3A_198, %parallel_loop3A_199] {strides = array<i32>} : memref<128x64xf32, #tpu.memory_space<vmem>>, vector<16xf32>,
        %parallel_loop3A_201 = arith.constant 1 : i32
        %parallel_loop3A_202 = arith.addi %parallel_loop3A_184, %parallel_loop3A_201 : i32
        %parallel_loop3A_203 = arith.index_cast %parallel_loop3A_202 : i32 to index
        %parallel_loop3A_204 = arith.constant 16 : index
        %parallel_loop3A_205 = tpu.vector_load %arg7[%parallel_loop3A_203, %parallel_loop3A_204] {strides = array<i32>} : memref<128x64xf32, #tpu.memory_space<vmem>>, vector<16xf32>,
        %parallel_loop3A_206 = tpu.pack_subelements %parallel_loop3A_200, %parallel_loop3A_205 {pack_format = #tpu.pack_format<interleaved>, positions = array<i32: 0, 1>} : vector<16xf32>, vector<16xf32> -> vector<32xbf16>
        %parallel_loop3A_207 = vector.bitcast %parallel_loop3A_206 : vector<32xbf16> to vector<16xi32>
        %parallel_loop3A_208 = arith.index_cast %parallel_loop3A_182 : i32 to index
        %parallel_loop3A_209 = arith.constant 16 : index
        %parallel_loop3A_210 = tpu.vector_load %arg11[%parallel_loop3A_208, %parallel_loop3A_209] {strides = array<i32>} : memref<64x128xi32, #tpu.memory_space<vmem>>, vector<16xi32>,
        tpu.vector_store %arg11[%parallel_loop3A_208, %parallel_loop3A_209], %parallel_loop3A_207 {strides = array<i32>} : memref<64x128xi32, #tpu.memory_space<vmem>>, vector<16xi32>,
        %parallel_loop3A_211 = arith.index_cast %parallel_loop3A_184 : i32 to index
        %parallel_loop3A_212 = arith.constant 32 : index
        %parallel_loop3A_213 = tpu.vector_load %arg7[%parallel_loop3A_211, %parallel_loop3A_212] {strides = array<i32>} : memref<128x64xf32, #tpu.memory_space<vmem>>, vector<16xf32>,
        %parallel_loop3A_214 = arith.constant 1 : i32
        %parallel_loop3A_215 = arith.addi %parallel_loop3A_184, %parallel_loop3A_214 : i32
        %parallel_loop3A_216 = arith.index_cast %parallel_loop3A_215 : i32 to index
        %parallel_loop3A_217 = arith.constant 32 : index
        %parallel_loop3A_218 = tpu.vector_load %arg7[%parallel_loop3A_216, %parallel_loop3A_217] {strides = array<i32>} : memref<128x64xf32, #tpu.memory_space<vmem>>, vector<16xf32>,
        %parallel_loop3A_219 = tpu.pack_subelements %parallel_loop3A_213, %parallel_loop3A_218 {pack_format = #tpu.pack_format<interleaved>, positions = array<i32: 0, 1>} : vector<16xf32>, vector<16xf32> -> vector<32xbf16>
        %parallel_loop3A_220 = vector.bitcast %parallel_loop3A_219 : vector<32xbf16> to vector<16xi32>
        %parallel_loop3A_221 = arith.index_cast %parallel_loop3A_182 : i32 to index
        %parallel_loop3A_222 = arith.constant 32 : index
        %parallel_loop3A_223 = tpu.vector_load %arg11[%parallel_loop3A_221, %parallel_loop3A_222] {strides = array<i32>} : memref<64x128xi32, #tpu.memory_space<vmem>>, vector<16xi32>,
        tpu.vector_store %arg11[%parallel_loop3A_221, %parallel_loop3A_222], %parallel_loop3A_220 {strides = array<i32>} : memref<64x128xi32, #tpu.memory_space<vmem>>, vector<16xi32>,
        %parallel_loop3A_224 = arith.index_cast %parallel_loop3A_184 : i32 to index
        %parallel_loop3A_225 = arith.constant 48 : index
        %parallel_loop3A_226 = tpu.vector_load %arg7[%parallel_loop3A_224, %parallel_loop3A_225] {strides = array<i32>} : memref<128x64xf32, #tpu.memory_space<vmem>>, vector<16xf32>,
        %parallel_loop3A_227 = arith.constant 1 : i32
        %parallel_loop3A_228 = arith.addi %parallel_loop3A_184, %parallel_loop3A_227 : i32
        %parallel_loop3A_229 = arith.index_cast %parallel_loop3A_228 : i32 to index
        %parallel_loop3A_230 = arith.constant 48 : index
        %parallel_loop3A_231 = tpu.vector_load %arg7[%parallel_loop3A_229, %parallel_loop3A_230] {strides = array<i32>} : memref<128x64xf32, #tpu.memory_space<vmem>>, vector<16xf32>,
        %parallel_loop3A_232 = tpu.pack_subelements %parallel_loop3A_226, %parallel_loop3A_231 {pack_format = #tpu.pack_format<interleaved>, positions = array<i32: 0, 1>} : vector<16xf32>, vector<16xf32> -> vector<32xbf16>
        %parallel_loop3A_233 = vector.bitcast %parallel_loop3A_232 : vector<32xbf16> to vector<16xi32>
        %parallel_loop3A_234 = arith.index_cast %parallel_loop3A_182 : i32 to index
        %parallel_loop3A_235 = arith.constant 48 : index
        %parallel_loop3A_236 = tpu.vector_load %arg11[%parallel_loop3A_234, %parallel_loop3A_235] {strides = array<i32>} : memref<64x128xi32, #tpu.memory_space<vmem>>, vector<16xi32>,
        tpu.vector_store %arg11[%parallel_loop3A_234, %parallel_loop3A_235], %parallel_loop3A_233 {strides = array<i32>} : memref<64x128xi32, #tpu.memory_space<vmem>>, vector<16xi32>,
      } {sc.loop_unroll_factor = 8 : i64, sc.parallel_access}
      %mul3A_110 = arith.constant 64 : i32
      %mul3A_111 = arith.muli %add3A_95, %mul3A_110 : i32
      %add3A_112 = arith.addi %select_n3A, %mul3A_111 : i32
      %dma_start3A_113 = arith.constant 0 : i32
      %dma_start3A_114 = tpu.memref_slice %arg4[%add3A_112, %dma_start3A_113] : memref<409600x128xi32, #tpu.memory_space<hbm>> -> memref<64x128xi32, #tpu.memory_space<hbm>>
      %dma_start3A_115 = arith.constant 0 : i32
      %dma_start3A_116 = tpu.memref_slice %arg4[%add3A_112, %dma_start3A_115] : memref<409600x128xi32, #tpu.memory_space<hbm>> -> memref<64x128xi32, #tpu.memory_space<hbm>>
      tpu.enqueue_dma source(%arg11 : memref<64x128xi32, #tpu.memory_space<vmem>>) target(%dma_start3A_116 : memref<64x128xi32, #tpu.memory_space<hbm>>) target_semaphore(%arg19 : memref<!tpu.dma_semaphore, #tpu.memory_space<semaphore_mem>>)
      %lt3A_117 = arith.constant 49 : i32
      %lt3A_118 = arith.cmpi slt, %scan3A_66, %lt3A_117 : i32
      %convert_element_type3A_119 = arith.extui %lt3A_118 : i1 to i32
      %cond3A_120 = arith.constant 0 : i32
      %cond3A_121 = arith.cmpi ne, %convert_element_type3A_119, %cond3A_120 : i32
      scf.if %cond3A_121 {
        %add3A_182 = arith.constant 4 : i32
        %add3A_183 = arith.addi %add3A_95, %add3A_182 : i32
        %mul3A_184 = arith.constant 128 : i32
        %mul3A_185 = arith.muli %add3A_183, %mul3A_184 : i32
        %dma_start3A_186 = tpu.memref_slice %arg5[%mul3A_185] : memref<25600xi32, #tpu.memory_space<vmem>> -> memref<128xi32, #tpu.memory_space<vmem>>
        %dma_start3A_187 = arith.constant 0 : i32
        %dma_start3A_188 = arith.constant 0 : i32
        %dma_start3A_189 = tpu.memref_slice %arg2[%dma_start3A_187, %dma_start3A_188] : memref<1000000x64xf32, #tpu.memory_space<hbm>> -> memref<1000000x64xf32, #tpu.memory_space<hbm>>
        tpu.enqueue_indirect_dma source(%dma_start3A_189 : memref<1000000x64xf32, #tpu.memory_space<hbm>>) target(%arg7 : memref<128x64xf32, #tpu.memory_space<vmem>>) offsets(%dma_start3A_186 : memref<128xi32, #tpu.memory_space<vmem>>) semaphore(%arg15 : memref<!tpu.dma_semaphore, #tpu.memory_space<semaphore_mem>>)
      } else {
      }
      %mul3A_122 = arith.constant 4 : i32
      %mul3A_123 = arith.muli %scan3A_66, %mul3A_122 : i32
      %add3A_124 = arith.constant 2 : i32
      %add3A_125 = arith.addi %mul3A_123, %add3A_124 : i32
      %mul3A_126 = arith.constant 128 : i32
      %mul3A_127 = arith.muli %add3A_125, %mul3A_126 : i32
      %dma_wait3A_128 = tpu.memref_slice %arg5[%mul3A_127] : memref<25600xi32, #tpu.memory_space<vmem>> -> memref<128xi32, #tpu.memory_space<vmem>>
      %dma_wait3A_129 = arith.constant 0 : i32
      %dma_wait3A_130 = arith.constant 0 : i32
      %dma_wait3A_131 = tpu.memref_slice %arg2[%dma_wait3A_129, %dma_wait3A_130] : memref<1000000x64xf32, #tpu.memory_space<hbm>> -> memref<1000000x64xf32, #tpu.memory_space<hbm>>
      tpu.wait_indirect_dma semaphore(%arg16 : memref<!tpu.dma_semaphore, #tpu.memory_space<semaphore_mem>>) src(%dma_wait3A_131 : memref<1000000x64xf32, #tpu.memory_space<hbm>>) dst(%arg8 : memref<128x64xf32, #tpu.memory_space<vmem>>)
      %gt3A_132 = arith.constant 0 : i32
      %gt3A_133 = arith.cmpi sgt, %scan3A_66, %gt3A_132 : i32
      %convert_element_type3A_134 = arith.extui %gt3A_133 : i1 to i32
      %cond3A_135 = arith.constant 0 : i32
      %cond3A_136 = arith.cmpi ne, %convert_element_type3A_134, %cond3A_135 : i32
      scf.if %cond3A_136 {
        %sub3A_182 = arith.constant 4 : i32
        %sub3A_183 = arith.subi %add3A_125, %sub3A_182 : i32
        %mul3A_184 = arith.constant 64 : i32
        %mul3A_185 = arith.muli %sub3A_183, %mul3A_184 : i32
        %add3A_186 = arith.addi %select_n3A, %mul3A_185 : i32
        %dma_wait3A_187 = arith.constant 0 : i32
        %dma_wait3A_188 = tpu.memref_slice %arg4[%add3A_186, %dma_wait3A_187] : memref<409600x128xi32, #tpu.memory_space<hbm>> -> memref<64x128xi32, #tpu.memory_space<hbm>>
        %dma_wait3A_189 = arith.constant 0 : i32
        %dma_wait3A_190 = tpu.memref_slice %arg4[%add3A_186, %dma_wait3A_189] : memref<409600x128xi32, #tpu.memory_space<hbm>> -> memref<64x128xi32, #tpu.memory_space<hbm>>
        tpu.wait_dma2 semaphore(%arg20 : memref<!tpu.dma_semaphore, #tpu.memory_space<semaphore_mem>>) src(%arg12 : memref<64x128xi32, #tpu.memory_space<vmem>>) dst(%dma_wait3A_190 : memref<64x128xi32, #tpu.memory_space<hbm>>)
      } else {
      }
      %parallel_loop3A_137 = arith.constant 0 : i32
      %parallel_loop3A_138 = arith.constant 64 : i32
      %parallel_loop3A_139 = arith.constant 1 : i32
      scf.for %parallel_loop3A_182 = %parallel_loop3A_137 to %parallel_loop3A_138 step %parallel_loop3A_139  : i32 {
        %parallel_loop3A_183 = arith.constant 2 : i32
        %parallel_loop3A_184 = arith.muli %parallel_loop3A_182, %parallel_loop3A_183 : i32
        %parallel_loop3A_185 = arith.index_cast %parallel_loop3A_184 : i32 to index
        %parallel_loop3A_186 = arith.constant 0 : index
        %parallel_loop3A_187 = tpu.vector_load %arg8[%parallel_loop3A_185, %parallel_loop3A_186] {strides = array<i32>} : memref<128x64xf32, #tpu.memory_space<vmem>>, vector<16xf32>,
        %parallel_loop3A_188 = arith.constant 1 : i32
        %parallel_loop3A_189 = arith.addi %parallel_loop3A_184, %parallel_loop3A_188 : i32
        %parallel_loop3A_190 = arith.index_cast %parallel_loop3A_189 : i32 to index
        %parallel_loop3A_191 = arith.constant 0 : index
        %parallel_loop3A_192 = tpu.vector_load %arg8[%parallel_loop3A_190, %parallel_loop3A_191] {strides = array<i32>} : memref<128x64xf32, #tpu.memory_space<vmem>>, vector<16xf32>,
        %parallel_loop3A_193 = tpu.pack_subelements %parallel_loop3A_187, %parallel_loop3A_192 {pack_format = #tpu.pack_format<interleaved>, positions = array<i32: 0, 1>} : vector<16xf32>, vector<16xf32> -> vector<32xbf16>
        %parallel_loop3A_194 = vector.bitcast %parallel_loop3A_193 : vector<32xbf16> to vector<16xi32>
        %parallel_loop3A_195 = arith.index_cast %parallel_loop3A_182 : i32 to index
        %parallel_loop3A_196 = arith.constant 0 : index
        %parallel_loop3A_197 = tpu.vector_load %arg12[%parallel_loop3A_195, %parallel_loop3A_196] {strides = array<i32>} : memref<64x128xi32, #tpu.memory_space<vmem>>, vector<16xi32>,
        tpu.vector_store %arg12[%parallel_loop3A_195, %parallel_loop3A_196], %parallel_loop3A_194 {strides = array<i32>} : memref<64x128xi32, #tpu.memory_space<vmem>>, vector<16xi32>,
        %parallel_loop3A_198 = arith.index_cast %parallel_loop3A_184 : i32 to index
        %parallel_loop3A_199 = arith.constant 16 : index
        %parallel_loop3A_200 = tpu.vector_load %arg8[%parallel_loop3A_198, %parallel_loop3A_199] {strides = array<i32>} : memref<128x64xf32, #tpu.memory_space<vmem>>, vector<16xf32>,
        %parallel_loop3A_201 = arith.constant 1 : i32
        %parallel_loop3A_202 = arith.addi %parallel_loop3A_184, %parallel_loop3A_201 : i32
        %parallel_loop3A_203 = arith.index_cast %parallel_loop3A_202 : i32 to index
        %parallel_loop3A_204 = arith.constant 16 : index
        %parallel_loop3A_205 = tpu.vector_load %arg8[%parallel_loop3A_203, %parallel_loop3A_204] {strides = array<i32>} : memref<128x64xf32, #tpu.memory_space<vmem>>, vector<16xf32>,
        %parallel_loop3A_206 = tpu.pack_subelements %parallel_loop3A_200, %parallel_loop3A_205 {pack_format = #tpu.pack_format<interleaved>, positions = array<i32: 0, 1>} : vector<16xf32>, vector<16xf32> -> vector<32xbf16>
        %parallel_loop3A_207 = vector.bitcast %parallel_loop3A_206 : vector<32xbf16> to vector<16xi32>
        %parallel_loop3A_208 = arith.index_cast %parallel_loop3A_182 : i32 to index
        %parallel_loop3A_209 = arith.constant 16 : index
        %parallel_loop3A_210 = tpu.vector_load %arg12[%parallel_loop3A_208, %parallel_loop3A_209] {strides = array<i32>} : memref<64x128xi32, #tpu.memory_space<vmem>>, vector<16xi32>,
        tpu.vector_store %arg12[%parallel_loop3A_208, %parallel_loop3A_209], %parallel_loop3A_207 {strides = array<i32>} : memref<64x128xi32, #tpu.memory_space<vmem>>, vector<16xi32>,
        %parallel_loop3A_211 = arith.index_cast %parallel_loop3A_184 : i32 to index
        %parallel_loop3A_212 = arith.constant 32 : index
        %parallel_loop3A_213 = tpu.vector_load %arg8[%parallel_loop3A_211, %parallel_loop3A_212] {strides = array<i32>} : memref<128x64xf32, #tpu.memory_space<vmem>>, vector<16xf32>,
        %parallel_loop3A_214 = arith.constant 1 : i32
        %parallel_loop3A_215 = arith.addi %parallel_loop3A_184, %parallel_loop3A_214 : i32
        %parallel_loop3A_216 = arith.index_cast %parallel_loop3A_215 : i32 to index
        %parallel_loop3A_217 = arith.constant 32 : index
        %parallel_loop3A_218 = tpu.vector_load %arg8[%parallel_loop3A_216, %parallel_loop3A_217] {strides = array<i32>} : memref<128x64xf32, #tpu.memory_space<vmem>>, vector<16xf32>,
        %parallel_loop3A_219 = tpu.pack_subelements %parallel_loop3A_213, %parallel_loop3A_218 {pack_format = #tpu.pack_format<interleaved>, positions = array<i32: 0, 1>} : vector<16xf32>, vector<16xf32> -> vector<32xbf16>
        %parallel_loop3A_220 = vector.bitcast %parallel_loop3A_219 : vector<32xbf16> to vector<16xi32>
        %parallel_loop3A_221 = arith.index_cast %parallel_loop3A_182 : i32 to index
        %parallel_loop3A_222 = arith.constant 32 : index
        %parallel_loop3A_223 = tpu.vector_load %arg12[%parallel_loop3A_221, %parallel_loop3A_222] {strides = array<i32>} : memref<64x128xi32, #tpu.memory_space<vmem>>, vector<16xi32>,
        tpu.vector_store %arg12[%parallel_loop3A_221, %parallel_loop3A_222], %parallel_loop3A_220 {strides = array<i32>} : memref<64x128xi32, #tpu.memory_space<vmem>>, vector<16xi32>,
        %parallel_loop3A_224 = arith.index_cast %parallel_loop3A_184 : i32 to index
        %parallel_loop3A_225 = arith.constant 48 : index
        %parallel_loop3A_226 = tpu.vector_load %arg8[%parallel_loop3A_224, %parallel_loop3A_225] {strides = array<i32>} : memref<128x64xf32, #tpu.memory_space<vmem>>, vector<16xf32>,
        %parallel_loop3A_227 = arith.constant 1 : i32
        %parallel_loop3A_228 = arith.addi %parallel_loop3A_184, %parallel_loop3A_227 : i32
        %parallel_loop3A_229 = arith.index_cast %parallel_loop3A_228 : i32 to index
        %parallel_loop3A_230 = arith.constant 48 : index
        %parallel_loop3A_231 = tpu.vector_load %arg8[%parallel_loop3A_229, %parallel_loop3A_230] {strides = array<i32>} : memref<128x64xf32, #tpu.memory_space<vmem>>, vector<16xf32>,
        %parallel_loop3A_232 = tpu.pack_subelements %parallel_loop3A_226, %parallel_loop3A_231 {pack_format = #tpu.pack_format<interleaved>, positions = array<i32: 0, 1>} : vector<16xf32>, vector<16xf32> -> vector<32xbf16>
        %parallel_loop3A_233 = vector.bitcast %parallel_loop3A_232 : vector<32xbf16> to vector<16xi32>
        %parallel_loop3A_234 = arith.index_cast %parallel_loop3A_182 : i32 to index
        %parallel_loop3A_235 = arith.constant 48 : index
        %parallel_loop3A_236 = tpu.vector_load %arg12[%parallel_loop3A_234, %parallel_loop3A_235] {strides = array<i32>} : memref<64x128xi32, #tpu.memory_space<vmem>>, vector<16xi32>,
        tpu.vector_store %arg12[%parallel_loop3A_234, %parallel_loop3A_235], %parallel_loop3A_233 {strides = array<i32>} : memref<64x128xi32, #tpu.memory_space<vmem>>, vector<16xi32>,
      } {sc.loop_unroll_factor = 8 : i64, sc.parallel_access}
      %mul3A_140 = arith.constant 64 : i32
      %mul3A_141 = arith.muli %add3A_125, %mul3A_140 : i32
      %add3A_142 = arith.addi %select_n3A, %mul3A_141 : i32
      %dma_start3A_143 = arith.constant 0 : i32
      %dma_start3A_144 = tpu.memref_slice %arg4[%add3A_142, %dma_start3A_143] : memref<409600x128xi32, #tpu.memory_space<hbm>> -> memref<64x128xi32, #tpu.memory_space<hbm>>
      %dma_start3A_145 = arith.constant 0 : i32
      %dma_start3A_146 = tpu.memref_slice %arg4[%add3A_142, %dma_start3A_145] : memref<409600x128xi32, #tpu.memory_space<hbm>> -> memref<64x128xi32, #tpu.memory_space<hbm>>
      tpu.enqueue_dma source(%arg12 : memref<64x128xi32, #tpu.memory_space<vmem>>) target(%dma_start3A_146 : memref<64x128xi32, #tpu.memory_space<hbm>>) target_semaphore(%arg20 : memref<!tpu.dma_semaphore, #tpu.memory_space<semaphore_mem>>)
      %lt3A_147 = arith.constant 49 : i32
      %lt3A_148 = arith.cmpi slt, %scan3A_66, %lt3A_147 : i32
      %convert_element_type3A_149 = arith.extui %lt3A_148 : i1 to i32
      %cond3A_150 = arith.constant 0 : i32
      %cond3A_151 = arith.cmpi ne, %convert_element_type3A_149, %cond3A_150 : i32
      scf.if %cond3A_151 {
        %add3A_182 = arith.constant 4 : i32
        %add3A_183 = arith.addi %add3A_125, %add3A_182 : i32
        %mul3A_184 = arith.constant 128 : i32
        %mul3A_185 = arith.muli %add3A_183, %mul3A_184 : i32
        %dma_start3A_186 = tpu.memref_slice %arg5[%mul3A_185] : memref<25600xi32, #tpu.memory_space<vmem>> -> memref<128xi32, #tpu.memory_space<vmem>>
        %dma_start3A_187 = arith.constant 0 : i32
        %dma_start3A_188 = arith.constant 0 : i32
        %dma_start3A_189 = tpu.memref_slice %arg2[%dma_start3A_187, %dma_start3A_188] : memref<1000000x64xf32, #tpu.memory_space<hbm>> -> memref<1000000x64xf32, #tpu.memory_space<hbm>>
        tpu.enqueue_indirect_dma source(%dma_start3A_189 : memref<1000000x64xf32, #tpu.memory_space<hbm>>) target(%arg8 : memref<128x64xf32, #tpu.memory_space<vmem>>) offsets(%dma_start3A_186 : memref<128xi32, #tpu.memory_space<vmem>>) semaphore(%arg16 : memref<!tpu.dma_semaphore, #tpu.memory_space<semaphore_mem>>)
      } else {
      }
      %mul3A_152 = arith.constant 4 : i32
      %mul3A_153 = arith.muli %scan3A_66, %mul3A_152 : i32
      %add3A_154 = arith.constant 3 : i32
      %add3A_155 = arith.addi %mul3A_153, %add3A_154 : i32
      %mul3A_156 = arith.constant 128 : i32
      %mul3A_157 = arith.muli %add3A_155, %mul3A_156 : i32
      %dma_wait3A_158 = tpu.memref_slice %arg5[%mul3A_157] : memref<25600xi32, #tpu.memory_space<vmem>> -> memref<128xi32, #tpu.memory_space<vmem>>
      %dma_wait3A_159 = arith.constant 0 : i32
      %dma_wait3A_160 = arith.constant 0 : i32
      %dma_wait3A_161 = tpu.memref_slice %arg2[%dma_wait3A_159, %dma_wait3A_160] : memref<1000000x64xf32, #tpu.memory_space<hbm>> -> memref<1000000x64xf32, #tpu.memory_space<hbm>>
      tpu.wait_indirect_dma semaphore(%arg17 : memref<!tpu.dma_semaphore, #tpu.memory_space<semaphore_mem>>) src(%dma_wait3A_161 : memref<1000000x64xf32, #tpu.memory_space<hbm>>) dst(%arg9 : memref<128x64xf32, #tpu.memory_space<vmem>>)
      %gt3A_162 = arith.constant 0 : i32
      %gt3A_163 = arith.cmpi sgt, %scan3A_66, %gt3A_162 : i32
      %convert_element_type3A_164 = arith.extui %gt3A_163 : i1 to i32
      %cond3A_165 = arith.constant 0 : i32
      %cond3A_166 = arith.cmpi ne, %convert_element_type3A_164, %cond3A_165 : i32
      scf.if %cond3A_166 {
        %sub3A_182 = arith.constant 4 : i32
        %sub3A_183 = arith.subi %add3A_155, %sub3A_182 : i32
        %mul3A_184 = arith.constant 64 : i32
        %mul3A_185 = arith.muli %sub3A_183, %mul3A_184 : i32
        %add3A_186 = arith.addi %select_n3A, %mul3A_185 : i32
        %dma_wait3A_187 = arith.constant 0 : i32
        %dma_wait3A_188 = tpu.memref_slice %arg4[%add3A_186, %dma_wait3A_187] : memref<409600x128xi32, #tpu.memory_space<hbm>> -> memref<64x128xi32, #tpu.memory_space<hbm>>
        %dma_wait3A_189 = arith.constant 0 : i32
        %dma_wait3A_190 = tpu.memref_slice %arg4[%add3A_186, %dma_wait3A_189] : memref<409600x128xi32, #tpu.memory_space<hbm>> -> memref<64x128xi32, #tpu.memory_space<hbm>>
        tpu.wait_dma2 semaphore(%arg21 : memref<!tpu.dma_semaphore, #tpu.memory_space<semaphore_mem>>) src(%arg13 : memref<64x128xi32, #tpu.memory_space<vmem>>) dst(%dma_wait3A_190 : memref<64x128xi32, #tpu.memory_space<hbm>>)
      } else {
      }
      %parallel_loop3A_167 = arith.constant 0 : i32
      %parallel_loop3A_168 = arith.constant 64 : i32
      %parallel_loop3A_169 = arith.constant 1 : i32
      scf.for %parallel_loop3A_182 = %parallel_loop3A_167 to %parallel_loop3A_168 step %parallel_loop3A_169  : i32 {
        %parallel_loop3A_183 = arith.constant 2 : i32
        %parallel_loop3A_184 = arith.muli %parallel_loop3A_182, %parallel_loop3A_183 : i32
        %parallel_loop3A_185 = arith.index_cast %parallel_loop3A_184 : i32 to index
        %parallel_loop3A_186 = arith.constant 0 : index
        %parallel_loop3A_187 = tpu.vector_load %arg9[%parallel_loop3A_185, %parallel_loop3A_186] {strides = array<i32>} : memref<128x64xf32, #tpu.memory_space<vmem>>, vector<16xf32>,
        %parallel_loop3A_188 = arith.constant 1 : i32
        %parallel_loop3A_189 = arith.addi %parallel_loop3A_184, %parallel_loop3A_188 : i32
        %parallel_loop3A_190 = arith.index_cast %parallel_loop3A_189 : i32 to index
        %parallel_loop3A_191 = arith.constant 0 : index
        %parallel_loop3A_192 = tpu.vector_load %arg9[%parallel_loop3A_190, %parallel_loop3A_191] {strides = array<i32>} : memref<128x64xf32, #tpu.memory_space<vmem>>, vector<16xf32>,
        %parallel_loop3A_193 = tpu.pack_subelements %parallel_loop3A_187, %parallel_loop3A_192 {pack_format = #tpu.pack_format<interleaved>, positions = array<i32: 0, 1>} : vector<16xf32>, vector<16xf32> -> vector<32xbf16>
        %parallel_loop3A_194 = vector.bitcast %parallel_loop3A_193 : vector<32xbf16> to vector<16xi32>
        %parallel_loop3A_195 = arith.index_cast %parallel_loop3A_182 : i32 to index
        %parallel_loop3A_196 = arith.constant 0 : index
        %parallel_loop3A_197 = tpu.vector_load %arg13[%parallel_loop3A_195, %parallel_loop3A_196] {strides = array<i32>} : memref<64x128xi32, #tpu.memory_space<vmem>>, vector<16xi32>,
        tpu.vector_store %arg13[%parallel_loop3A_195, %parallel_loop3A_196], %parallel_loop3A_194 {strides = array<i32>} : memref<64x128xi32, #tpu.memory_space<vmem>>, vector<16xi32>,
        %parallel_loop3A_198 = arith.index_cast %parallel_loop3A_184 : i32 to index
        %parallel_loop3A_199 = arith.constant 16 : index
        %parallel_loop3A_200 = tpu.vector_load %arg9[%parallel_loop3A_198, %parallel_loop3A_199] {strides = array<i32>} : memref<128x64xf32, #tpu.memory_space<vmem>>, vector<16xf32>,
        %parallel_loop3A_201 = arith.constant 1 : i32
        %parallel_loop3A_202 = arith.addi %parallel_loop3A_184, %parallel_loop3A_201 : i32
        %parallel_loop3A_203 = arith.index_cast %parallel_loop3A_202 : i32 to index
        %parallel_loop3A_204 = arith.constant 16 : index
        %parallel_loop3A_205 = tpu.vector_load %arg9[%parallel_loop3A_203, %parallel_loop3A_204] {strides = array<i32>} : memref<128x64xf32, #tpu.memory_space<vmem>>, vector<16xf32>,
        %parallel_loop3A_206 = tpu.pack_subelements %parallel_loop3A_200, %parallel_loop3A_205 {pack_format = #tpu.pack_format<interleaved>, positions = array<i32: 0, 1>} : vector<16xf32>, vector<16xf32> -> vector<32xbf16>
        %parallel_loop3A_207 = vector.bitcast %parallel_loop3A_206 : vector<32xbf16> to vector<16xi32>
        %parallel_loop3A_208 = arith.index_cast %parallel_loop3A_182 : i32 to index
        %parallel_loop3A_209 = arith.constant 16 : index
        %parallel_loop3A_210 = tpu.vector_load %arg13[%parallel_loop3A_208, %parallel_loop3A_209] {strides = array<i32>} : memref<64x128xi32, #tpu.memory_space<vmem>>, vector<16xi32>,
        tpu.vector_store %arg13[%parallel_loop3A_208, %parallel_loop3A_209], %parallel_loop3A_207 {strides = array<i32>} : memref<64x128xi32, #tpu.memory_space<vmem>>, vector<16xi32>,
        %parallel_loop3A_211 = arith.index_cast %parallel_loop3A_184 : i32 to index
        %parallel_loop3A_212 = arith.constant 32 : index
        %parallel_loop3A_213 = tpu.vector_load %arg9[%parallel_loop3A_211, %parallel_loop3A_212] {strides = array<i32>} : memref<128x64xf32, #tpu.memory_space<vmem>>, vector<16xf32>,
        %parallel_loop3A_214 = arith.constant 1 : i32
        %parallel_loop3A_215 = arith.addi %parallel_loop3A_184, %parallel_loop3A_214 : i32
        %parallel_loop3A_216 = arith.index_cast %parallel_loop3A_215 : i32 to index
        %parallel_loop3A_217 = arith.constant 32 : index
        %parallel_loop3A_218 = tpu.vector_load %arg9[%parallel_loop3A_216, %parallel_loop3A_217] {strides = array<i32>} : memref<128x64xf32, #tpu.memory_space<vmem>>, vector<16xf32>,
        %parallel_loop3A_219 = tpu.pack_subelements %parallel_loop3A_213, %parallel_loop3A_218 {pack_format = #tpu.pack_format<interleaved>, positions = array<i32: 0, 1>} : vector<16xf32>, vector<16xf32> -> vector<32xbf16>
        %parallel_loop3A_220 = vector.bitcast %parallel_loop3A_219 : vector<32xbf16> to vector<16xi32>
        %parallel_loop3A_221 = arith.index_cast %parallel_loop3A_182 : i32 to index
        %parallel_loop3A_222 = arith.constant 32 : index
        %parallel_loop3A_223 = tpu.vector_load %arg13[%parallel_loop3A_221, %parallel_loop3A_222] {strides = array<i32>} : memref<64x128xi32, #tpu.memory_space<vmem>>, vector<16xi32>,
        tpu.vector_store %arg13[%parallel_loop3A_221, %parallel_loop3A_222], %parallel_loop3A_220 {strides = array<i32>} : memref<64x128xi32, #tpu.memory_space<vmem>>, vector<16xi32>,
        %parallel_loop3A_224 = arith.index_cast %parallel_loop3A_184 : i32 to index
        %parallel_loop3A_225 = arith.constant 48 : index
        %parallel_loop3A_226 = tpu.vector_load %arg9[%parallel_loop3A_224, %parallel_loop3A_225] {strides = array<i32>} : memref<128x64xf32, #tpu.memory_space<vmem>>, vector<16xf32>,
        %parallel_loop3A_227 = arith.constant 1 : i32
        %parallel_loop3A_228 = arith.addi %parallel_loop3A_184, %parallel_loop3A_227 : i32
        %parallel_loop3A_229 = arith.index_cast %parallel_loop3A_228 : i32 to index
        %parallel_loop3A_230 = arith.constant 48 : index
        %parallel_loop3A_231 = tpu.vector_load %arg9[%parallel_loop3A_229, %parallel_loop3A_230] {strides = array<i32>} : memref<128x64xf32, #tpu.memory_space<vmem>>, vector<16xf32>,
        %parallel_loop3A_232 = tpu.pack_subelements %parallel_loop3A_226, %parallel_loop3A_231 {pack_format = #tpu.pack_format<interleaved>, positions = array<i32: 0, 1>} : vector<16xf32>, vector<16xf32> -> vector<32xbf16>
        %parallel_loop3A_233 = vector.bitcast %parallel_loop3A_232 : vector<32xbf16> to vector<16xi32>
        %parallel_loop3A_234 = arith.index_cast %parallel_loop3A_182 : i32 to index
        %parallel_loop3A_235 = arith.constant 48 : index
        %parallel_loop3A_236 = tpu.vector_load %arg13[%parallel_loop3A_234, %parallel_loop3A_235] {strides = array<i32>} : memref<64x128xi32, #tpu.memory_space<vmem>>, vector<16xi32>,
        tpu.vector_store %arg13[%parallel_loop3A_234, %parallel_loop3A_235], %parallel_loop3A_233 {strides = array<i32>} : memref<64x128xi32, #tpu.memory_space<vmem>>, vector<16xi32>,
      } {sc.loop_unroll_factor = 8 : i64, sc.parallel_access}
      %mul3A_170 = arith.constant 64 : i32
      %mul3A_171 = arith.muli %add3A_155, %mul3A_170 : i32
      %add3A_172 = arith.addi %select_n3A, %mul3A_171 : i32
      %dma_start3A_173 = arith.constant 0 : i32
      %dma_start3A_174 = tpu.memref_slice %arg4[%add3A_172, %dma_start3A_173] : memref<409600x128xi32, #tpu.memory_space<hbm>> -> memref<64x128xi32, #tpu.memory_space<hbm>>
      %dma_start3A_175 = arith.constant 0 : i32
      %dma_start3A_176 = tpu.memref_slice %arg4[%add3A_172, %dma_start3A_175] : memref<409600x128xi32, #tpu.memory_space<hbm>> -> memref<64x128xi32, #tpu.memory_space<hbm>>
      tpu.enqueue_dma source(%arg13 : memref<64x128xi32, #tpu.memory_space<vmem>>) target(%dma_start3A_176 : memref<64x128xi32, #tpu.memory_space<hbm>>) target_semaphore(%arg21 : memref<!tpu.dma_semaphore, #tpu.memory_space<semaphore_mem>>)
      %lt3A_177 = arith.constant 49 : i32
      %lt3A_178 = arith.cmpi slt, %scan3A_66, %lt3A_177 : i32
      %convert_element_type3A_179 = arith.extui %lt3A_178 : i1 to i32
      %cond3A_180 = arith.constant 0 : i32
      %cond3A_181 = arith.cmpi ne, %convert_element_type3A_179, %cond3A_180 : i32
      scf.if %cond3A_181 {
        %add3A_182 = arith.constant 4 : i32
        %add3A_183 = arith.addi %add3A_155, %add3A_182 : i32
        %mul3A_184 = arith.constant 128 : i32
        %mul3A_185 = arith.muli %add3A_183, %mul3A_184 : i32
        %dma_start3A_186 = tpu.memref_slice %arg5[%mul3A_185] : memref<25600xi32, #tpu.memory_space<vmem>> -> memref<128xi32, #tpu.memory_space<vmem>>
        %dma_start3A_187 = arith.constant 0 : i32
        %dma_start3A_188 = arith.constant 0 : i32
        %dma_start3A_189 = tpu.memref_slice %arg2[%dma_start3A_187, %dma_start3A_188] : memref<1000000x64xf32, #tpu.memory_space<hbm>> -> memref<1000000x64xf32, #tpu.memory_space<hbm>>
        tpu.enqueue_indirect_dma source(%dma_start3A_189 : memref<1000000x64xf32, #tpu.memory_space<hbm>>) target(%arg9 : memref<128x64xf32, #tpu.memory_space<vmem>>) offsets(%dma_start3A_186 : memref<128xi32, #tpu.memory_space<vmem>>) semaphore(%arg17 : memref<!tpu.dma_semaphore, #tpu.memory_space<semaphore_mem>>)
      } else {
      }
    }
    %scan3A_42 = arith.constant 50 : i32
    %add3A_43 = arith.constant 12544 : i32
    %add3A_44 = arith.addi %select_n3A, %add3A_43 : i32
    %dma_wait3A = arith.constant 0 : i32
    %dma_wait3A_45 = tpu.memref_slice %arg4[%add3A_44, %dma_wait3A] : memref<409600x128xi32, #tpu.memory_space<hbm>> -> memref<64x128xi32, #tpu.memory_space<hbm>>
    %dma_wait3A_46 = arith.constant 0 : i32
    %dma_wait3A_47 = tpu.memref_slice %arg4[%add3A_44, %dma_wait3A_46] : memref<409600x128xi32, #tpu.memory_space<hbm>> -> memref<64x128xi32, #tpu.memory_space<hbm>>
    tpu.wait_dma2 semaphore(%arg18 : memref<!tpu.dma_semaphore, #tpu.memory_space<semaphore_mem>>) src(%arg10 : memref<64x128xi32, #tpu.memory_space<vmem>>) dst(%dma_wait3A_47 : memref<64x128xi32, #tpu.memory_space<hbm>>)
    %add3A_48 = arith.constant 12608 : i32
    %add3A_49 = arith.addi %select_n3A, %add3A_48 : i32
    %dma_wait3A_50 = arith.constant 0 : i32
    %dma_wait3A_51 = tpu.memref_slice %arg4[%add3A_49, %dma_wait3A_50] : memref<409600x128xi32, #tpu.memory_space<hbm>> -> memref<64x128xi32, #tpu.memory_space<hbm>>
    %dma_wait3A_52 = arith.constant 0 : i32
    %dma_wait3A_53 = tpu.memref_slice %arg4[%add3A_49, %dma_wait3A_52] : memref<409600x128xi32, #tpu.memory_space<hbm>> -> memref<64x128xi32, #tpu.memory_space<hbm>>
    tpu.wait_dma2 semaphore(%arg19 : memref<!tpu.dma_semaphore, #tpu.memory_space<semaphore_mem>>) src(%arg11 : memref<64x128xi32, #tpu.memory_space<vmem>>) dst(%dma_wait3A_53 : memref<64x128xi32, #tpu.memory_space<hbm>>)
    %add3A_54 = arith.constant 12672 : i32
    %add3A_55 = arith.addi %select_n3A, %add3A_54 : i32
    %dma_wait3A_56 = arith.constant 0 : i32
    %dma_wait3A_57 = tpu.memref_slice %arg4[%add3A_55, %dma_wait3A_56] : memref<409600x128xi32, #tpu.memory_space<hbm>> -> memref<64x128xi32, #tpu.memory_space<hbm>>
    %dma_wait3A_58 = arith.constant 0 : i32
    %dma_wait3A_59 = tpu.memref_slice %arg4[%add3A_55, %dma_wait3A_58] : memref<409600x128xi32, #tpu.memory_space<hbm>> -> memref<64x128xi32, #tpu.memory_space<hbm>>
    tpu.wait_dma2 semaphore(%arg20 : memref<!tpu.dma_semaphore, #tpu.memory_space<semaphore_mem>>) src(%arg12 : memref<64x128xi32, #tpu.memory_space<vmem>>) dst(%dma_wait3A_59 : memref<64x128xi32, #tpu.memory_space<hbm>>)
    %add3A_60 = arith.constant 12736 : i32
    %add3A_61 = arith.addi %select_n3A, %add3A_60 : i32
    %dma_wait3A_62 = arith.constant 0 : i32
    %dma_wait3A_63 = tpu.memref_slice %arg4[%add3A_61, %dma_wait3A_62] : memref<409600x128xi32, #tpu.memory_space<hbm>> -> memref<64x128xi32, #tpu.memory_space<hbm>>
    %dma_wait3A_64 = arith.constant 0 : i32
    %dma_wait3A_65 = tpu.memref_slice %arg4[%add3A_61, %dma_wait3A_64] : memref<409600x128xi32, #tpu.memory_space<hbm>> -> memref<64x128xi32, #tpu.memory_space<hbm>>
    tpu.wait_dma2 semaphore(%arg21 : memref<!tpu.dma_semaphore, #tpu.memory_space<semaphore_mem>>) src(%arg13 : memref<64x128xi32, #tpu.memory_space<vmem>>) dst(%dma_wait3A_65 : memref<64x128xi32, #tpu.memory_space<hbm>>)
    return
  }
}

module attributes {stable_mosaic.version = 14 : i64} {
  func.func @_tc_repack(%arg0: i32, %arg1: memref<4096x128xi32, #tpu.memory_space<vmem>>, %arg2: memref<8192x64xbf16, #tpu.memory_space<vmem>>) attributes {dimension_semantics = [#tpu.dimension_semantics<arbitrary>], iteration_bounds = array<i64: 100>, scalar_prefetch = 0 : i64, scratch_operands = 0 : i64, tpu.core_type = #tpu.core_type<tc>, window_params = [{transform_indices = @transform_0, window_bounds = array<i64: 4096, 128>}, {transform_indices = @transform_1, window_bounds = array<i64: 8192, 64>}]} {
    %get3A = arith.constant 0 : index
    %get3A_0 = arith.constant 0 : index
    %get3A_1 = vector.load %arg1[%get3A, %get3A_0] : memref<4096x128xi32, #tpu.memory_space<vmem>>, vector<4096x128xi32>
    %bitcast3A = tpu.bitcast %get3A_1 : vector<4096x128xi32> -> vector<8192x128xbf16>
    %slice3A = vector.extract_strided_slice %bitcast3A {offsets = [0, 0], sizes = [8192, 64], strides = [1, 1]} : vector<8192x128xbf16> to vector<8192x64xbf16>
    %swap3A = arith.constant 0 : index
    %swap3A_2 = arith.constant 0 : index
    %swap3A_3 = vector.load %arg2[%swap3A, %swap3A_2] : memref<8192x64xbf16, #tpu.memory_space<vmem>>, vector<8192x64xbf16>
    tpu.vector_store %arg2[%swap3A, %swap3A_2], %slice3A {strides = array<i32>} : memref<8192x64xbf16, #tpu.memory_space<vmem>>, vector<8192x64xbf16>,
    return
  }
  func.func @transform_0(%arg0: i32) -> (i32, i32) {
    %c0_i32 = arith.constant 0 : i32
    %c0_i32_0 = arith.constant 0 : i32
    return %arg0, %c0_i32 : i32, i32
  }
  func.func @transform_1(%arg0: i32) -> (i32, i32) {
    %c0_i32 = arith.constant 0 : i32
    %c0_i32_0 = arith.constant 0 : i32
    return %arg0, %c0_i32 : i32, i32
  }
}

</mosaic_0001>

<sc_bundles>
// kernel: _embed.4.cloned.1.call-start
scs
__scs_entry_jumppad:
0x0: {  	(pc) =	sbr.rel $0x88, $3  }
0x1: {  	(tag) =	ssettag $0x0;
	lr =	simm.s32 $0x1  }
0x2: {  	[smem:$0x3F9F] =	sst lr;
	_ =	strace $0xD0000000  }
0x3: {  	_ = 	snop  }
0x4: {  	_ = 	snop  }
0x5: {  	_ = 	snop  }
0x6: {  	_ = 	snop  }
0x7: {  	_ = 	snop  }
__scs_overlays_trampoline_lowered:
0x8: {  	[smem:$0x3FAE] =	sst s0  }
0x9: {  	[smem:$0x3FAF] =	sst s1  }
0xa: {  	[smem:$0x3FB0] =	sst s2  }
0xb: {  	[smem:$0x3FB1] =	sst s3  }
0xc: {  	[smem:$0x3FB2] =	sst s4  }
0xd: {  	[smem:$0x3FB3] =	sst s5  }
0xe: {  	[smem:$0x3FB4] =	sst s6  }
0xf: {  	[smem:$0x3FB5] =	sst s7  }
0x10: {  	[smem:$0x3FB6] =	sst s8  }
0x11: {  	[smem:$0x3FB7] =	sst s9;
	s0 =	simm.s32 @!p0 $0x0  }
0x12: {  	s1 =	sld [smem:$0x3F9D];
	s0 =	simm.s32 @p0 $0x1  }
0x13: {  	[smem:$0x3FB8] =	sst s0;
	s0 =	simm.s32 @!p1 $0x0  }
0x14: {  	s2 =	sld [smem:$0x3F9C];
	s0 =	simm.s32 @p1 $0x1  }
0x15: {  	[smem:$0x3FB9] =	sst s0;
	s0 =	simm.s32 @!p2 $0x0  }
0x16: {  	s3 =	sld [smem:$0x3FDB];
	s0 =	simm.s32 @p2 $0x1  }
0x17: {  	s4 =	simm.s32 $0x1BF5;
	[smem:$0x3FBB] =	sst s0  }
0x18: {  	s0 =	sld [smem:$0x3F9E];
	_ =	swait.ge [sflag:s4], $0x0  }
0x19: {  	s7 =	sld [smem:$0x3F9F]  }
0x1a: {  	s8 =	sadd.s32 $0xFFFFE003, lr  }
0x1b: {  	s9 =	sadd.s32 $0xFFFFFEF7, lr;
	s5 =	simm.s32 $0xFFFFFFFF;
	p2 =	slt.u32 s8, $0xFFFFF086  }
0x1c: {  	p1 =	slt.u32 s9, $0xF7A;
	s5 =	simm.s32 @!p2 $0x0  }
0x1d: {  	s5 =	simm.s32 @p1 $0x1;
	p0 =	seq.s32 s7, s2  }
0x1e: {  	s7 =	smul.u32 @!p0 $0xF7A, s2;
	p2 =	seq.s32 @!p0 s5, $0x0  }
0x1f: {  	s9 =	smul.u32 $0xF7A, s1;
	s8 =	simm.s32 @!p0 $0x1BF5;
	p2 =	por !p2, p0  }
0x20: {  	[sflag:s8] =	ssyncset.s32 @!p0 $0xFFFFF086;
	s6 =	sadd.s32 @!p0 s3, s7;
	s7 =	simm.s32 @!p0 $0x108  }
0x21: {  	s3 =	sadd.s32 s3, s9;
	s6 =	sadd.s32 @!p0 $0x88, s6;
	s7 =	simm.s32 @p2 $0x1082  }
0x22: {  	[simem:s7], [sflag:s8] =	dma.local @!p0 [hbm:s6], $0xF7A  }
0x23: {  	s9 =	sor.u32 $0xD0000000, s2;
	s6 =	simm.s32 $0x108;
	_ =	swait.ge @!p0 [sflag:s8], $0x0  }
0x24: {  	s3 =	sadd.s32 $0x88, s3;
	s6 =	simm.s32 @!p1 $0x1082;
	[sflag:s4] =	ssyncset.s32 $0xFFFFF086  }
0x25: {  	[simem:s6], [sflag:s4] =	dma.local [hbm:s3], $0xF7A  }
0x26: {  	[smem:$0x3F9F] =	sst s1;
	(tag) =	ssettag s2;
	_ =	strace s9  }
0x27: {  	s1 =	sld [smem:$0x3FAF]  }
0x28: {  	s2 =	sld [smem:$0x3FB0]  }
0x29: {  	s4 =	sld [smem:$0x3FB2]  }
0x2a: {  	p0 =	seq.s32 s5, $0x0;
	s5 =	sld [smem:$0x3FB3]  }
0x2b: {  	s6 =	sld [smem:$0x3FB4]  }
0x2c: {  	s7 =	sld [smem:$0x3FB5]  }
0x2d: {  	s3 =	simm.s32 $0x108;
	s8 =	sld [smem:$0x3FB6]  }
0x2e: {  	s3 =	simm.s32 @!p0 $0x1082;
	s9 =	sld [smem:$0x3FB7]  }
0x2f: {  	lr =	sadd.s32 s0, s3;
	s0 =	sld [smem:$0x3FAE]  }
0x30: {  	s3 =	sld [smem:$0x3FB1]  }
0x31: {  	[smem:$0x3FBA] =	sst s10  }
0x32: {  	s10 =	sld [smem:$0x3FB8];
	_ =	sdelay $0x3  }
0x33: {  	p0 =	seq.s32 s10, $0x1;
	s10 =	sld [smem:$0x3FBA];
	_ =	sdelay $0x3  }
0x34: {  	[smem:$0x3FBA] =	sst s10  }
0x35: {  	s10 =	sld [smem:$0x3FB9];
	_ =	sdelay $0x3  }
0x36: {  	p1 =	seq.s32 s10, $0x1;
	s10 =	sld [smem:$0x3FBA];
	_ =	sdelay $0x3  }
0x37: {  	[smem:$0x3FBA] =	sst s10  }
0x38: {  	s10 =	sld [smem:$0x3FBB]  }
0x39: {  	_ = 	snop;
	(pc) =	sbr.ind lr, $3  }
0x3a: {  	_ = 	snop  }
0x3b: {  	_ = 	snop  }
0x3c: {  	p2 =	seq.s32 s10, $0x1;
	s10 =	sld [smem:$0x3FBA]  }
0x3d: {  	_ =	shalt  }
0x3e: {  	_ =	shalt  }
0x3f: {  	_ =	shalt  }
0x40: {  	_ =	shalt  }
0x41: {  	_ =	shalt  }
0x42: {  	_ =	shalt  }
0x43: {  	_ =	shalt  }
0x44: {  	_ =	shalt  }
0x45: {  	_ =	shalt  }
0x46: {  	_ =	shalt  }
0x47: {  	_ =	shalt  }
0x48: {  	_ =	shalt  }
0x49: {  	_ =	shalt  }
0x4a: {  	_ =	shalt  }
0x4b: {  	_ =	shalt  }
0x4c: {  	_ =	shalt  }
0x4d: {  	_ =	shalt  }
0x4e: {  	_ =	shalt  }
0x4f: {  	_ =	shalt  }
0x50: {  	_ =	shalt  }
0x51: {  	_ =	shalt  }
0x52: {  	_ =	shalt  }
0x53: {  	_ =	shalt  }
0x54: {  	_ =	shalt  }
0x55: {  	_ =	shalt  }
0x56: {  	_ =	shalt  }
0x57: {  	_ =	shalt  }
0x58: {  	_ =	shalt  }
0x59: {  	_ =	shalt  }
0x5a: {  	_ =	shalt  }
0x5b: {  	_ =	shalt  }
0x5c: {  	_ =	shalt  }
0x5d: {  	_ =	shalt  }
0x5e: {  	_ =	shalt  }
0x5f: {  	_ =	shalt  }
0x60: {  	_ =	shalt  }
0x61: {  	_ =	shalt  }
0x62: {  	_ =	shalt  }
0x63: {  	_ =	shalt  }
0x64: {  	_ =	shalt  }
0x65: {  	_ =	shalt  }
0x66: {  	_ =	shalt  }
0x67: {  	_ =	shalt  }
0x68: {  	_ =	shalt  }
0x69: {  	_ =	shalt  }
0x6a: {  	_ =	shalt  }
0x6b: {  	_ =	shalt  }
0x6c: {  	_ =	shalt  }
0x6d: {  	_ =	shalt  }
0x6e: {  	_ =	shalt  }
0x6f: {  	_ =	shalt  }
0x70: {  	_ =	shalt  }
0x71: {  	_ =	shalt  }
0x72: {  	_ =	shalt  }
0x73: {  	_ =	shalt  }
0x74: {  	_ =	shalt  }
0x75: {  	_ =	shalt  }
0x76: {  	_ =	shalt  }
0x77: {  	_ =	shalt  }
0x78: {  	_ =	shalt  }
0x79: {  	_ =	shalt  }
0x7a: {  	_ =	shalt  }
0x7b: {  	_ =	shalt  }
0x7c: {  	_ =	shalt  }
0x7d: {  	_ =	shalt  }
0x7e: {  	_ =	shalt  }
0x7f: {  	_ =	shalt  }
0x80: {  	_ =	shalt  }
0x81: {  	_ =	shalt  }
0x82: {  	_ =	shalt  }
0x83: {  	_ =	shalt  }
0x84: {  	_ =	shalt  }
0x85: {  	_ =	shalt  }
0x86: {  	_ =	shalt  }
0x87: {  	_ =	shalt  }
.Lfunc_end0:
.L_simem_size_0:
called_computation.1_lowered:
.L_overlay_start_0:
0x88: {  	s2 =	sld [smem:$0x3FD9]  }
0x89: {  	s3 =	sld [smem:$0x3FFE];
	_ =	sdelay $0x1  }
0x8a: {  	s1 =	srdreg.scid  }
0x8b: {  	s0 =	sand.u32 $0x1, s1  }
0x8c: {  	s17 =	sshll.u32 s0, $0xA;
	s2 =	sadd.s32 s3, s2  }
0x8d: {  	s2 =	sadd.s32 s2, s17  }
0x8e: {  	[smem:$0x3FC6] =	sst s2  }
0x8f: {  	_ = 	snop  }
0x90: {  	s2 =	sld [smem:$0x3FD0];
	(tm) =	ssettm $0x1  }
0x91: {  	s18 =	sld [smem:$0x3FFB];
	_ =	sdelay $0x3  }
0x92: {  	_ =	strace s18  }
0x93: {  	s3 =	sld [smem:$0x3FFC];
	_ =	sdelay $0x3  }
0x94: {  	_ =	strace s3  }
0x95: {  	s3 =	sld [smem:$0x3FFD];
	_ =	sdelay $0x3  }
0x96: {  	_ =	strace s3  }
0x97: {  	_ =	strace $0x8FFFFFFF  }
0x98: {  	s19 =	sld [smem:$0x3FDB];
	_ =	sdelay $0x1  }
0x99: {  	s4 =	simm.s32 $_scs_section_size  }
0x9a: {  	s5 =	simm.s32 $_size__tile_overlayer_lowered;
	s6 =	simm.s32 $_tile_overlayer_lowered  }
0x9b: {  	s22 =	simm.s32 $0x1BFF;
	s21 =	sshll.u32 s6, $0x1;
	s3 =	sadd.s32 s4, s19  }
0x9c: {  	s7 =	simm.s32 $0x0;
	s20 =	sshll.u32 s5, $0x1;
	s5 =	sadd.s32 s21, s3  }
0x9d: {  	[timem:s7], [sflag:s22] =	dma.local [hbm:s5], s20  }
0x9e: {  	_ =	swait.ge [sflag:s22], s20  }
0x9f: {  	s4 =	ssub.s32 $0x0, s20;
	[sflag:s22] =	ssyncset.done $0x0  }
0xa0: {  	[sflag:s22] =	ssyncadd.s32 s4;
	_ =	sdelay $0x1  }
0xa1: {  	s23 =	simm.s32 $0x1B8B  }
0xa2: {  	_ =	swait.ge [sflag:s23], $0x1  }
0xa3: {  	[sflag:s23] =	ssyncset.done $0x0  }
0xa4: {  	s25 =	simm.s32 $0x1B8E;
	s24 =	sld [smem:$0x3FFE];
	[sflag:s23] =	ssyncadd.s32 $0xFFFFFFFF  }
0xa5: {  	s26 =	simm.s32 $execute0_lowered;
	[smem:$0x3FD2] =	sst s25  }
0xa6: {  	s5 =	sshll.u32 s26, $0x1;
	_ =	strace $0x80000046;
	[dreg:$0x1] =	wrdreg $0xFFFFFFFF  }
0xa7: {  	s28 =	simm.s32 $_size_execute0_lowered;
	s3 =	sadd.s32 s3, s5;
	[dreg:$0x0] =	wrdreg $0x0  }
0xa8: {  	s5 =	sshll.u32 s28, $0x1;
	[dreg:$0x2] =	wrdreg s3  }
0xa9: {  	[dreg:$0x3] =	wrdreg s5  }
0xaa: {  	[dreg:$0x4] =	wrdreg $0xC0  }
0xab: {  	_ =	task [dreg:s7], $0x5FFFF  }
0xac: {  	[dreg:$0x1] =	wrdreg $0xFFFFFFFF  }
0xad: {  	[dreg:$0x0] =	wrdreg $0x60  }
0xae: {  	[dreg:$0x2] =	wrdreg s24  }
0xaf: {  	[dreg:$0x3] =	wrdreg s2  }
0xb0: {  	[dreg:$0x4] =	wrdreg $0x9  }
0xb1: {  	_ =	task.clear_ibuf [dreg:s7], $0x5FFFF;
	_ =	strace $0x90000046  }
0xb2: {  	s29 =	simm.s32 $0x9;
	_ =	strace $0x80000048  }
0xb3: {  	_ =	swait.ge [sflag:s29], $0x1  }
0xb4: {  	[sflag:s29] =	ssyncadd.s32 $0xFFFFFFFF  }
0xb5: {  	_ =	strace $0x90000048  }
0xb6: {  	_ =	sfence  }
0xb7: {  	s30 =	sld [smem:$0x0];
	_ =	sdelay $0x2  }
0xb8: {  	s31 =	sshll.u32 s1, $0xD;
	s1 =	sshrl.u32 s1, $0x2  }
0xb9: {  	s3 =	sand.u32 $0x4000, s31;
	s1 =	sadd.s32 s1, s30  }
0xba: {  	s0 =	sor.u32 s3, s0;
	s1 =	sshll.u32 s1, $0x11  }
0xbb: {  	s0 =	sor.u32 s1, s0  }
0xbc: {  	s0 =	sadd.s32 $0x8F2B, s0  }
0xbd: {  	[sflag:s0] =	ssyncadd.remote.s32 $0x1  }
0xbe: {  	_ =	sfence.sel $0xFFFF  }
0xbf: {  	[dreg:$0x0] =	wrdreg $0xFFFFFFFF;
	(pc) =	sbr.abs _section_cstart, $3  }
0xc0: {  	[dreg:$0x1] =	wrdreg $0xFFFFFFFF  }
0xc1: {  	_ =	task.clear_ibuf [dreg:s7], $0x2FFFF;
	_ =	strace $0x9FFFFFFF  }
0xc2: {  	(tm) =	ssettm $0x7FFFFFFF  }
0xc3: {  	_ =	shalt  }
tec
execute0_lowered:
.L_overlay_start_1:
0x0: {  	(tag) =	ssettag $0x1  }
0x1: {  	s0 =	rddreg [dreg:$0x0]  }
0x2: {  	s1 =	rddreg [dreg:$0x1]  }
0x3: {  	s3 =	srdreg.scid;
	s4 =	stileid.u32  }
0x4: {  	s2 =	simm.s32 $0x0;
	s11 =	simm.s32 $0x9;
	s12 =	simm.s32 $0x80  }
0x5: {  	s13 =	simm.s32 $0x6400;
	s14 =	simm.s32 $0x8400;
	s16 =	simm.s32 $0xA400  }
0x6: {  	s18 =	simm.s32 $0xC400;
	s19 =	simm.s32 $0x1;
	s20 =	simm.s32 $0xE400  }
0x7: {  	s21 =	simm.s32 $0x2;
	s22 =	simm.s32 $0x6;
	s23 =	simm.s32 $0x10400  }
0x8: {  	s24 =	simm.s32 $0x3;
	s28 =	simm.s32 $0x4;
	s29 =	simm.s32 $0x8  }
0x9: {  	s30 =	simm.s32 $0x14400;
	s3 =	sand.u32 $0x1, s3;
	s4 =	sshll.u32 s4, $0x1  }
0xa: {  	[smem:$0x7FF] =	sst s2;
	s5 =	sor.u32 s3, s4;
	s6 =	ssub.s32 $0x2, s3  }
0xb: {  	s3 =	sadd.s32 $0xF42E00, s0;
	s7 =	smul.u32 $0x6400, s5;
	s25 =	sshrl.u32 s6, $0x1  }
0xc: {  	s4 =	sadd.s32 $0xA00, s0;
	s0 =	ssub.s32 s6, s25;
	s6 =	smul.u32 $0x190000, s5  }
.Ltmp0:
0xd: {  	s31 =	simm.s32 $0x5;
	_ =	strace $0x80000047;
	(pc) =	sbr.rel .LBB2_1-.Ltmp0, $4  }
0xe: {  	s25 =	simm.s32 $0x7;
	s9 =	sshrl.u32 s7, $0x1;
	s26 =	sshrl.u32 s7, $0x3  }
0xf: {  	s0 =	smax.u32 s0, $0x1;
	s1 =	sadd.s32 s1, s26;
	s7 =	sor.u32 $0x40, s9  }
0x10: {  	s8 =	sor.u32 $0x80, s9;
	s9 =	sor.u32 $0xC0, s9;
	[dreg:$0x4] =	wrdreg s0  }
0x11: {  	s26 =	simm.s32 $0x12400;
	s0 =	simm.s32 $0x0;
	[dreg:$0x3] =	wrdreg s1  }
.LBB2_24:
0x12: {  	_ =	swait.ge [sflag:s31], $0x2000  }
0x13: {  	[sflag:s31] =	ssyncset.done $0x0  }
0x14: {  	[sflag:s31] =	ssyncadd.s32 $0xFFFFE000  }
0x15: {  	_ =	swait.ge [sflag:s22], $0x2000  }
0x16: {  	[sflag:s22] =	ssyncset.done $0x0  }
0x17: {  	[sflag:s22] =	ssyncadd.s32 $0xFFFFE000  }
0x18: {  	_ =	swait.ge [sflag:s25], $0x2000  }
0x19: {  	[sflag:s25] =	ssyncset.done $0x0  }
0x1a: {  	[sflag:s25] =	ssyncadd.s32 $0xFFFFE000  }
0x1b: {  	_ =	swait.ge [sflag:s29], $0x2000  }
0x1c: {  	s0 =	sadd.s32 $0x1, s0;
	s1 =	rddreg [dreg:$0x4]  }
0x1d: {  	p0 =	sne.s32 s0, s1  }
.Ltmp1:
0x1e: {  	_ = 	snop;
	(pc) =	sbr.rel @!p0 .LBB2_25-.Ltmp1, $3  }
0x1f: {  	_ =	sdelay $0x1  }
0x20: {  	[sflag:s29] =	ssyncset.done $0x0  }
0x21: {  	[sflag:s29] =	ssyncadd.s32 $0xFFFFE000  }
.LBB2_1:
0x22: {  	s1 =	rddreg [dreg:$0x3]  }
0x23: {  	[tilespmem:s2], [sflag:$0x9] =	stream.linear.gather [hbm4b:s1+s2], $0x6400, $0x38;
	[tilespmem:$0x16400] =	vst v63  }
0x24: {  	_ =	swait.ge [sflag:s11], $0x6400  }
0x25: {  	[sflag:s11] =	ssyncset.done $0x0  }
0x26: {  	[sflag:s11] =	ssyncadd.s32 $0xFFFF9C00  }
0x27: {  	[tilespmem:s13], [sflag:$0x1] =	stream.indirect.gather [hbm4b:s3+s12], $0x40, s2, s12, $0xb8;
	[tilespmem:$0x16400] =	vst v63  }
0x28: {  	_ = 	snop  }
0x29: {  	[tilespmem:s14], [sflag:$0x2] =	stream.indirect.gather [hbm4b:s3+s12], $0x40, s12, s12, $0xb8;
	[tilespmem:$0x16400] =	vst v63  }
0x2a: {  	s15 =	simm.s32 $0x100  }
0x2b: {  	[tilespmem:s16], [sflag:$0x3] =	stream.indirect.gather [hbm4b:s3+s12], $0x40, s15, s12, $0xb8;
	[tilespmem:$0x16400] =	vst v63  }
0x2c: {  	s17 =	simm.s32 $0x180;
	s1 =	simm.s32 $0x0  }
0x2d: {  	[tilespmem:s18], [sflag:$0x4] =	stream.indirect.gather [hbm4b:s3+s12], $0x40, s17, s12, $0xb8;
	[tilespmem:$0x16400] =	vst v63  }
.LBB2_2:
0x2e: {  	_ =	swait.ge [sflag:s19], $0x2000  }
0x2f: {  	p0 =	seq.s32 s1, $0x0;
	[sflag:s19] =	ssyncset.done $0x0  }
0x30: {  	s5 =	simm.s32 @!p0 $0x5;
	[sflag:s19] =	ssyncadd.s32 $0xFFFFE000  }
0x31: {  	_ =	swait.ge @!p0 [sflag:s5], $0x2000  }
0x32: {  	[sflag:s5] =	ssyncset.done @!p0 $0x0  }
0x33: {  	s10 =	simm.s32 $0x6600;
	[sflag:s5] =	ssyncadd.s32 @!p0 $0xFFFFE000  }
0x34: {  	v0 =	vld [tilespmem:s10+$0x180]  }
0x35: {  	v1 =	vld [tilespmem:s10+$0x1C0]  }
0x36: {  	v2 =	vld [tilespmem:s10+$0xFFFFFE40]  }
0x37: {  	v3 =	vld [tilespmem:s10+$0xFFFFFE80]  }
0x38: {  	v4 =	vld [tilespmem:s10+$0xFFFFFEC0]  }
0x39: {  	v5 =	vld [tilespmem:s10+$0xFFFFFF00]  }
0x3a: {  	v6 =	vld [tilespmem:s10+$0xFFFFFF40]  }
0x3b: {  	v8 =	vld [tilespmem:s10+$0xFFFFFFC0]  }
0x3c: {  	v9 =	vld [tilespmem:s10+$0x0]  }
0x3d: {  	v10 =	vld [tilespmem:s10+$0x40]  }
0x3e: {  	v11 =	vld [tilespmem:s10+$0x80]  }
0x3f: {  	v12 =	vld [tilespmem:s10+$0xC0]  }
0x40: {  	s15 =	simm.s32 $0xE600;
	v0 =	vpack.i.f32.bf16 v1, v0;
	v1 =	vld [tilespmem:s10+$0xFFFFFF80]  }
0x41: {  	v3 =	vpack.i.f32.bf16 v4, v3;
	v4 =	vld [tilespmem:s10+$0x140];
	[tilespmem:s15+$0x180] =	vst v0  }
0x42: {  	[tilespmem:s15+$0xFFFFFE80] =	vst v3;
	v3 =	vld [tilespmem:s10+$0xFFFFFE00]  }
0x43: {  	v0 =	vld [tilespmem:s10+$0x190]  }
0x44: {  	v7 =	vld [tilespmem:s10+$0x1D0]  }
0x45: {  	v5 =	vpack.i.f32.bf16 v6, v5;
	v6 =	vld [tilespmem:s10+$0xFFFFFE90]  }
0x46: {  	v9 =	vpack.i.f32.bf16 v10, v9;
	[tilespmem:s15+$0xFFFFFF00] =	vst v5;
	v5 =	vld [tilespmem:s10+$0xFFFFFED0]  }
0x47: {  	[tilespmem:s15+$0x0] =	vst v9;
	v46 =	vld [tilespmem:s10+$0xFFFFFF10]  }
0x48: {  	v50 =	vld [tilespmem:s10+$0x10]  }
0x49: {  	v51 =	vld [tilespmem:s10+$0x50];
	v1 =	vpack.i.f32.bf16 v8, v1  }
0x4a: {  	[tilespmem:s15+$0xFFFFFF80] =	vst v1;
	v0 =	vpack.i.f32.bf16 v7, v0;
	v7 =	vld [tilespmem:s10+$0x100]  }
0x4b: {  	v2 =	vpack.i.f32.bf16 v2, v3;
	v48 =	vld [tilespmem:s10+$0xFFFFFF90]  }
0x4c: {  	[tilespmem:s15+$0xFFFFFE00] =	vst v2;
	v49 =	vld [tilespmem:s10+$0xFFFFFFD0]  }
0x4d: {  	v47 =	vld [tilespmem:s10+$0xFFFFFE10]  }
0x4e: {  	[tilespmem:s15+$0x190] =	vst v0;
	v1 =	vld [tilespmem:s10+$0xFFFFFE50]  }
0x4f: {  	v5 =	vpack.i.f32.bf16 v5, v6;
	v0 =	vld [tilespmem:s10+$0x1A0]  }
0x50: {  	v11 =	vpack.i.f32.bf16 v12, v11;
	[tilespmem:s15+$0xFFFFFE90] =	vst v5;
	v13 =	vld [tilespmem:s10+$0x1E0]  }
0x51: {  	[tilespmem:s15+$0x80] =	vst v11;
	v53 =	vld [tilespmem:s10+$0xFFFFFEA0]  }
0x52: {  	v4 =	vpack.i.f32.bf16 v4, v7;
	v7 =	vld [tilespmem:s10+$0x90]  }
0x53: {  	v9 =	vpack.i.f32.bf16 v49, v48;
	[tilespmem:s15+$0x100] =	vst v4;
	v4 =	vld [tilespmem:s10+$0xD0]  }
0x54: {  	v1 =	vpack.i.f32.bf16 v1, v47;
	[tilespmem:s15+$0xFFFFFF90] =	vst v9;
	v52 =	vld [tilespmem:s10+$0x110]  }
0x55: {  	[tilespmem:s15+$0xFFFFFE10] =	vst v1;
	v1 =	vld [tilespmem:s10+$0x150]  }
0x56: {  	v56 =	vld [tilespmem:s10+$0xFFFFFFA0]  }
0x57: {  	v0 =	vpack.i.f32.bf16 v13, v0;
	v57 =	vld [tilespmem:s10+$0xFFFFFFE0]  }
0x58: {  	[tilespmem:s15+$0x1A0] =	vst v0;
	v0 =	vld [tilespmem:s10+$0xFFFFFF50]  }
0x59: {  	v6 =	vld [tilespmem:s10+$0xFFFFFE20]  }
0x5a: {  	v5 =	vld [tilespmem:s10+$0xFFFFFE60]  }
0x5b: {  	v11 =	vpack.i.f32.bf16 v51, v50;
	v3 =	vld [tilespmem:s10+$0x1B0]  }
0x5c: {  	[tilespmem:s15+$0x10] =	vst v11;
	v2 =	vld [tilespmem:s10+$0x1F0]  }
0x5d: {  	v4 =	vpack.i.f32.bf16 v4, v7;
	v7 =	vld [tilespmem:s10+$0x20]  }
0x5e: {  	[tilespmem:s15+$0x90] =	vst v4;
	v4 =	vld [tilespmem:s10+$0x60]  }
0x5f: {  	v1 =	vpack.i.f32.bf16 v1, v52;
	v58 =	vld [tilespmem:s10+$0xA0]  }
0x60: {  	v0 =	vpack.i.f32.bf16 v0, v46;
	[tilespmem:s15+$0x110] =	vst v1;
	v1 =	vld [tilespmem:s10+$0xE0]  }
0x61: {  	[tilespmem:s15+$0xFFFFFF10] =	vst v0;
	v0 =	vld [tilespmem:s10+$0xFFFFFEE0]  }
0x62: {  	v54 =	vld [tilespmem:s10+$0xFFFFFF20]  }
0x63: {  	v55 =	vld [tilespmem:s10+$0xFFFFFF60]  }
0x64: {  	v5 =	vpack.i.f32.bf16 v5, v6;
	v6 =	vld [tilespmem:s10+$0x120]  }
0x65: {  	[tilespmem:s15+$0xFFFFFE20] =	vst v5;
	v5 =	vld [tilespmem:s10+$0x160]  }
0x66: {  	v59 =	vld [tilespmem:s10+$0xFFFFFE30];
	v0 =	vpack.i.f32.bf16 v0, v53  }
0x67: {  	v14 =	vld [tilespmem:s10+$0xFFFFFE70];
	[tilespmem:s15+$0xFFFFFEA0] =	vst v0  }
0x68: {  	v0 =	vpack.i.f32.bf16 v55, v54;
	v60 =	vld [tilespmem:s10+$0xFFFFFEB0]  }
0x69: {  	[tilespmem:s15+$0xFFFFFF20] =	vst v0;
	v61 =	vld [tilespmem:s10+$0xFFFFFEF0]  }
0x6a: {  	v0 =	vpack.i.f32.bf16 v57, v56;
	v62 =	vld [tilespmem:s10+$0xFFFFFF30]  }
0x6b: {  	v2 =	vpack.i.f32.bf16 v2, v3;
	[tilespmem:s15+$0xFFFFFFA0] =	vst v0;
	v63 =	vld [tilespmem:s10+$0xFFFFFF70]  }
0x6c: {  	[tilespmem:s15+$0x1B0] =	vst v2;
	v0 =	vpack.i.f32.bf16 v4, v7;
	v2 =	vld [tilespmem:s10+$0xFFFFFFB0]  }
0x6d: {  	[tilespmem:s15+$0x20] =	vst v0;
	v0 =	vpack.i.f32.bf16 v1, v58;
	v7 =	vld [tilespmem:s10+$0xFFFFFFF0]  }
0x6e: {  	v1 =	vpack.i.f32.bf16 v5, v6;
	[tilespmem:s15+$0xA0] =	vst v0;
	v0 =	vld [tilespmem:s10+$0x30]  }
0x6f: {  	[tilespmem:s15+$0x120] =	vst v1;
	v1 =	vpack.i.f32.bf16 v14, v59;
	v3 =	vld [tilespmem:s10+$0x70]  }
0x70: {  	[tilespmem:s15+$0xFFFFFE30] =	vst v1;
	v1 =	vld [tilespmem:s10+$0xB0];
	v4 =	vpack.i.f32.bf16 v61, v60  }
0x71: {  	[tilespmem:s15+$0xFFFFFEB0] =	vst v4;
	v5 =	vpack.i.f32.bf16 v63, v62;
	v4 =	vld [tilespmem:s10+$0xF0]  }
0x72: {  	[tilespmem:s15+$0xFFFFFF30] =	vst v5;
	v5 =	vpack.i.f32.bf16 v7, v2;
	v2 =	vld [tilespmem:s10+$0x130]  }
0x73: {  	s17 =	simm.s32 $0x0;
	s5 =	simm.s32 $0x6A00;
	[tilespmem:s15+$0xFFFFFFB0] =	vst v5;
	v5 =	vld [tilespmem:s10+$0x170]  }
.LBB2_3:
0x74: {  	v6 =	vld [tilespmem:s5+$0x180];
	v0 =	vpack.i.f32.bf16 v3, v0  }
0x75: {  	v3 =	vld [tilespmem:s5+$0x1C0];
	[tilespmem:s15+$0x30] =	vst v0  }
0x76: {  	v0 =	vld [tilespmem:s5+$0xFFFFFE40];
	v1 =	vpack.i.f32.bf16 v4, v1  }
0x77: {  	v4 =	vld [tilespmem:s5+$0xFFFFFE80];
	[tilespmem:s15+$0xB0] =	vst v1  }
0x78: {  	s17 =	sadd.s32 $0x8, s17;
	v1 =	vld [tilespmem:s5+$0xFFFFFEC0];
	v2 =	vpack.i.f32.bf16 v5, v2  }
0x79: {  	p1 =	slt.u32 s17, $0x38;
	v5 =	vld [tilespmem:s5+$0xFFFFFF00];
	[tilespmem:s15+$0x130] =	vst v2  }
0x7a: {  	s15 =	sadd.s32 $0x400, s15;
	v2 =	vld [tilespmem:s5+$0xFFFFFF40];
	v3 =	vpack.i.f32.bf16 v3, v6  }
0x7b: {  	v6 =	vld [tilespmem:s5+$0xFFFFFF80];
	[tilespmem:s15+$0x180] =	vst v3  }
0x7c: {  	v3 =	vld [tilespmem:s5+$0x190]  }
0x7d: {  	v1 =	vpack.i.f32.bf16 v1, v4;
	v4 =	vld [tilespmem:s5+$0x1D0]  }
0x7e: {  	[tilespmem:s15+$0xFFFFFE80] =	vst v1;
	v1 =	vld [tilespmem:s5+$0xFFFFFFC0]  }
0x7f: {  	v2 =	vpack.i.f32.bf16 v2, v5;
	v5 =	vld [tilespmem:s5+$0x0]  }
0x80: {  	[tilespmem:s15+$0xFFFFFF00] =	vst v2;
	v2 =	vld [tilespmem:s5+$0x40]  }
0x81: {  	v7 =	vld [tilespmem:s5+$0x80]  }
0x82: {  	v8 =	vld [tilespmem:s5+$0xC0];
	v3 =	vpack.i.f32.bf16 v4, v3  }
0x83: {  	v1 =	vpack.i.f32.bf16 v1, v6;
	v4 =	vld [tilespmem:s5+$0x100];
	[tilespmem:s15+$0x190] =	vst v3  }
0x84: {  	[tilespmem:s15+$0xFFFFFF80] =	vst v1;
	v1 =	vld [tilespmem:s5+$0x1A0]  }
0x85: {  	v2 =	vpack.i.f32.bf16 v2, v5;
	v3 =	vld [tilespmem:s5+$0x1E0]  }
0x86: {  	[tilespmem:s15+$0x0] =	vst v2;
	v2 =	vld [tilespmem:s5+$0x140]  }
0x87: {  	v5 =	vld [tilespmem:s5+$0xFFFFFE00];
	v6 =	vpack.i.f32.bf16 v8, v7  }
0x88: {  	v7 =	vld [tilespmem:s5+$0xFFFFFE90];
	[tilespmem:s15+$0x80] =	vst v6  }
0x89: {  	v6 =	vld [tilespmem:s5+$0xFFFFFED0]  }
0x8a: {  	v8 =	vld [tilespmem:s5+$0xFFFFFF10];
	v1 =	vpack.i.f32.bf16 v3, v1  }
0x8b: {  	v3 =	vld [tilespmem:s5+$0xFFFFFF50];
	v2 =	vpack.i.f32.bf16 v2, v4;
	[tilespmem:s15+$0x1A0] =	vst v1  }
0x8c: {  	v0 =	vpack.i.f32.bf16 v0, v5;
	[tilespmem:s15+$0x100] =	vst v2;
	v1 =	vld [tilespmem:s5+$0x1B0]  }
0x8d: {  	[tilespmem:s15+$0xFFFFFE00] =	vst v0;
	v0 =	vld [tilespmem:s5+$0x1F0]  }
0x8e: {  	v2 =	vld [tilespmem:s5+$0xFFFFFE10];
	v4 =	vpack.i.f32.bf16 v6, v7  }
0x8f: {  	v5 =	vld [tilespmem:s5+$0xFFFFFE50];
	[tilespmem:s15+$0xFFFFFE90] =	vst v4  }
0x90: {  	v3 =	vpack.i.f32.bf16 v3, v8;
	v4 =	vld [tilespmem:s5+$0xFFFFFF90]  }
0x91: {  	[tilespmem:s15+$0xFFFFFF10] =	vst v3;
	v3 =	vld [tilespmem:s5+$0xFFFFFFD0]  }
0x92: {  	v6 =	vld [tilespmem:s5+$0x10];
	v0 =	vpack.i.f32.bf16 v0, v1  }
0x93: {  	v1 =	vld [tilespmem:s5+$0x50];
	[tilespmem:s15+$0x1B0] =	vst v0  }
0x94: {  	v0 =	vpack.i.f32.bf16 v5, v2;
	v2 =	vld [tilespmem:s5+$0x90]  }
0x95: {  	[tilespmem:s15+$0xFFFFFE10] =	vst v0;
	v0 =	vld [tilespmem:s5+$0xD0]  }
0x96: {  	v3 =	vpack.i.f32.bf16 v3, v4;
	v4 =	vld [tilespmem:s5+$0x110]  }
0x97: {  	[tilespmem:s15+$0xFFFFFF90] =	vst v3;
	v3 =	vld [tilespmem:s5+$0x150]  }
0x98: {  	v5 =	vld [tilespmem:s5+$0xFFFFFE20];
	v1 =	vpack.i.f32.bf16 v1, v6  }
0x99: {  	v6 =	vld [tilespmem:s5+$0xFFFFFE60];
	[tilespmem:s15+$0x10] =	vst v1  }
0x9a: {  	v1 =	vld [tilespmem:s5+$0xFFFFFEA0];
	v0 =	vpack.i.f32.bf16 v0, v2  }
0x9b: {  	v2 =	vld [tilespmem:s5+$0xFFFFFEE0];
	[tilespmem:s15+$0x90] =	vst v0  }
0x9c: {  	v0 =	vld [tilespmem:s5+$0xFFFFFF20];
	v3 =	vpack.i.f32.bf16 v3, v4  }
0x9d: {  	v4 =	vld [tilespmem:s5+$0xFFFFFF60];
	[tilespmem:s15+$0x110] =	vst v3  }
0x9e: {  	v3 =	vpack.i.f32.bf16 v6, v5;
	v5 =	vld [tilespmem:s5+$0xFFFFFFA0]  }
0x9f: {  	[tilespmem:s15+$0xFFFFFE20] =	vst v3;
	v3 =	vld [tilespmem:s5+$0xFFFFFFE0]  }
0xa0: {  	v1 =	vpack.i.f32.bf16 v2, v1;
	v2 =	vld [tilespmem:s5+$0x20]  }
0xa1: {  	[tilespmem:s15+$0xFFFFFEA0] =	vst v1;
	v1 =	vld [tilespmem:s5+$0x60]  }
0xa2: {  	v0 =	vpack.i.f32.bf16 v4, v0;
	v4 =	vld [tilespmem:s5+$0xA0]  }
0xa3: {  	[tilespmem:s15+$0xFFFFFF20] =	vst v0;
	v0 =	vld [tilespmem:s5+$0xE0]  }
0xa4: {  	v3 =	vpack.i.f32.bf16 v3, v5;
	v5 =	vld [tilespmem:s5+$0x120]  }
0xa5: {  	[tilespmem:s15+$0xFFFFFFA0] =	vst v3;
	v3 =	vld [tilespmem:s5+$0x160]  }
0xa6: {  	v6 =	vld [tilespmem:s5+$0xFFFFFE30];
	v1 =	vpack.i.f32.bf16 v1, v2  }
0xa7: {  	v2 =	vld [tilespmem:s5+$0xFFFFFE70];
	[tilespmem:s15+$0x20] =	vst v1  }
0xa8: {  	v1 =	vld [tilespmem:s5+$0xFFFFFEB0];
	v0 =	vpack.i.f32.bf16 v0, v4  }
0xa9: {  	v4 =	vld [tilespmem:s5+$0xFFFFFEF0];
	[tilespmem:s15+$0xA0] =	vst v0  }
0xaa: {  	v7 =	vld [tilespmem:s5+$0xFFFFFF30];
	v0 =	vpack.i.f32.bf16 v3, v5  }
0xab: {  	v5 =	vld [tilespmem:s5+$0xFFFFFF70];
	[tilespmem:s15+$0x120] =	vst v0  }
0xac: {  	v0 =	vpack.i.f32.bf16 v2, v6;
	v2 =	vld [tilespmem:s5+$0xFFFFFFB0]  }
0xad: {  	[tilespmem:s15+$0xFFFFFE30] =	vst v0;
	v6 =	vld [tilespmem:s5+$0xFFFFFFF0]  }
0xae: {  	v1 =	vpack.i.f32.bf16 v4, v1;
	v0 =	vld [tilespmem:s5+$0x30]  }
.Ltmp2:
0xaf: {  	[tilespmem:s15+$0xFFFFFEB0] =	vst v1;
	v3 =	vld [tilespmem:s5+$0x70];
	(pc) =	sbr.rel @p1 .LBB2_3-.Ltmp2, $4  }
0xb0: {  	v4 =	vpack.i.f32.bf16 v5, v7;
	v1 =	vld [tilespmem:s5+$0xB0]  }
0xb1: {  	[tilespmem:s15+$0xFFFFFF30] =	vst v4;
	v4 =	vld [tilespmem:s5+$0xF0]  }
0xb2: {  	v5 =	vpack.i.f32.bf16 v6, v2;
	v2 =	vld [tilespmem:s5+$0x130]  }
0xb3: {  	[tilespmem:s15+$0xFFFFFFB0] =	vst v5;
	v5 =	vld [tilespmem:s5+$0x170];
	s5 =	sadd.s32 $0x400, s5  }
0xb4: {  	_ = 	snop  }
0xb5: {  	p1 =	sne.s32 s1, $0x31  }
.Ltmp3:
0xb6: {  	v0 =	vpack.i.f32.bf16 v3, v0;
	s5 =	sshll.u32 s1, $0xF;
	(pc) =	sbr.rel @p1 .LBB2_6-.Ltmp3, $4  }
0xb7: {  	[tilespmem:s15+$0x30] =	vst v0;
	s5 =	sadd.s32 s6, s5;
	v62 =	vpack.i.f32.bf16 v4, v1  }
0xb8: {  	s5 =	sshrl.u32 s5, $0x3;
	[tilespmem:s15+$0xB0] =	vst v62;
	v63 =	vpack.i.f32.bf16 v5, v2  }
0xb9: {  	s5 =	sadd.s32 s4, s5;
	[tilespmem:s15+$0x130] =	vst v63  }
0xba: {  	[hbm4b:s5+s2] =	stream.linear.scatter [tilespmem:s20], [sflag:$0x5], $0x2000, $0x38;
	[tilespmem:$0x16400] =	vst v63  }
.Ltmp4:
0xbb: {  	(pc) =	sbr.rel .LBB2_7-.Ltmp4, $4  }
0xbc: {  	_ = 	snop  }
0xbd: {  	_ =	swait.ge [sflag:s21], $0x2000  }
0xbe: {  	[sflag:s21] =	ssyncset.done $0x0  }
0xbf: {  	[sflag:s21] =	ssyncadd.s32 $0xFFFFE000  }
.LBB2_6:
0xc0: {  	s5 =	sshll.u32 s1, $0x9  }
0xc1: {  	s5 =	sand.u32 $0x3FFFFE00, s5  }
.Ltmp5:
0xc2: {  	s5 =	sadd.s32 $0x200, s5;
	(pc) =	sbr.rel @p0 .LBB2_8-.Ltmp5, $4  }
0xc3: {  	[tilespmem:s13], [sflag:$0x1] =	stream.indirect.gather [hbm4b:s3+s12], $0x40, s5, s12, $0xb8;
	[tilespmem:$0x16400] =	vst v63  }
0xc4: {  	_ =	swait.ge [sflag:s21], $0x2000  }
0xc5: {  	[sflag:s21] =	ssyncset.done $0x0  }
0xc6: {  	[sflag:s21] =	ssyncadd.s32 $0xFFFFE000  }
.LBB2_7:
0xc7: {  	_ =	swait.ge [sflag:s22], $0x2000  }
0xc8: {  	[sflag:s22] =	ssyncset.done $0x0  }
0xc9: {  	[sflag:s22] =	ssyncadd.s32 $0xFFFFE000  }
.LBB2_8:
0xca: {  	s5 =	simm.s32 $0x8600  }
0xcb: {  	v0 =	vld [tilespmem:s5+$0x180]  }
0xcc: {  	v1 =	vld [tilespmem:s5+$0x1C0]  }
0xcd: {  	v2 =	vld [tilespmem:s5+$0xFFFFFE40]  }
0xce: {  	v3 =	vld [tilespmem:s5+$0xFFFFFE80]  }
0xcf: {  	v4 =	vld [tilespmem:s5+$0xFFFFFEC0]  }
0xd0: {  	v5 =	vld [tilespmem:s5+$0xFFFFFF00]  }
0xd1: {  	v6 =	vld [tilespmem:s5+$0xFFFFFF40]  }
0xd2: {  	v8 =	vld [tilespmem:s5+$0xFFFFFFC0]  }
0xd3: {  	v9 =	vld [tilespmem:s5+$0x0]  }
0xd4: {  	v10 =	vld [tilespmem:s5+$0x40]  }
0xd5: {  	v11 =	vld [tilespmem:s5+$0x80]  }
0xd6: {  	v12 =	vld [tilespmem:s5+$0xC0]  }
0xd7: {  	s17 =	simm.s32 $0x10600;
	v0 =	vpack.i.f32.bf16 v1, v0;
	v1 =	vld [tilespmem:s5+$0xFFFFFF80]  }
0xd8: {  	v3 =	vpack.i.f32.bf16 v4, v3;
	v4 =	vld [tilespmem:s5+$0x140];
	[tilespmem:s17+$0x180] =	vst v0  }
0xd9: {  	[tilespmem:s17+$0xFFFFFE80] =	vst v3;
	v3 =	vld [tilespmem:s5+$0xFFFFFE00]  }
0xda: {  	v0 =	vld [tilespmem:s5+$0x190]  }
0xdb: {  	v7 =	vld [tilespmem:s5+$0x1D0]  }
0xdc: {  	v5 =	vpack.i.f32.bf16 v6, v5;
	v6 =	vld [tilespmem:s5+$0xFFFFFE90]  }
0xdd: {  	v9 =	vpack.i.f32.bf16 v10, v9;
	[tilespmem:s17+$0xFFFFFF00] =	vst v5;
	v5 =	vld [tilespmem:s5+$0xFFFFFED0]  }
0xde: {  	[tilespmem:s17+$0x0] =	vst v9;
	v46 =	vld [tilespmem:s5+$0xFFFFFF10]  }
0xdf: {  	v50 =	vld [tilespmem:s5+$0x10]  }
0xe0: {  	v51 =	vld [tilespmem:s5+$0x50];
	v1 =	vpack.i.f32.bf16 v8, v1  }
0xe1: {  	[tilespmem:s17+$0xFFFFFF80] =	vst v1;
	v0 =	vpack.i.f32.bf16 v7, v0;
	v7 =	vld [tilespmem:s5+$0x100]  }
0xe2: {  	v2 =	vpack.i.f32.bf16 v2, v3;
	v48 =	vld [tilespmem:s5+$0xFFFFFF90]  }
0xe3: {  	[tilespmem:s17+$0xFFFFFE00] =	vst v2;
	v49 =	vld [tilespmem:s5+$0xFFFFFFD0]  }
0xe4: {  	v47 =	vld [tilespmem:s5+$0xFFFFFE10]  }
0xe5: {  	[tilespmem:s17+$0x190] =	vst v0;
	v1 =	vld [tilespmem:s5+$0xFFFFFE50]  }
0xe6: {  	v5 =	vpack.i.f32.bf16 v5, v6;
	v0 =	vld [tilespmem:s5+$0x1A0]  }
0xe7: {  	v11 =	vpack.i.f32.bf16 v12, v11;
	[tilespmem:s17+$0xFFFFFE90] =	vst v5;
	v13 =	vld [tilespmem:s5+$0x1E0]  }
0xe8: {  	[tilespmem:s17+$0x80] =	vst v11;
	v53 =	vld [tilespmem:s5+$0xFFFFFEA0]  }
0xe9: {  	v4 =	vpack.i.f32.bf16 v4, v7;
	v7 =	vld [tilespmem:s5+$0x90]  }
0xea: {  	v9 =	vpack.i.f32.bf16 v49, v48;
	[tilespmem:s17+$0x100] =	vst v4;
	v4 =	vld [tilespmem:s5+$0xD0]  }
0xeb: {  	v1 =	vpack.i.f32.bf16 v1, v47;
	[tilespmem:s17+$0xFFFFFF90] =	vst v9;
	v52 =	vld [tilespmem:s5+$0x110]  }
0xec: {  	[tilespmem:s17+$0xFFFFFE10] =	vst v1;
	v1 =	vld [tilespmem:s5+$0x150]  }
0xed: {  	v56 =	vld [tilespmem:s5+$0xFFFFFFA0]  }
0xee: {  	v0 =	vpack.i.f32.bf16 v13, v0;
	v57 =	vld [tilespmem:s5+$0xFFFFFFE0]  }
0xef: {  	[tilespmem:s17+$0x1A0] =	vst v0;
	v0 =	vld [tilespmem:s5+$0xFFFFFF50]  }
0xf0: {  	v6 =	vld [tilespmem:s5+$0xFFFFFE20]  }
0xf1: {  	v5 =	vld [tilespmem:s5+$0xFFFFFE60]  }
0xf2: {  	v11 =	vpack.i.f32.bf16 v51, v50;
	v3 =	vld [tilespmem:s5+$0x1B0]  }
0xf3: {  	[tilespmem:s17+$0x10] =	vst v11;
	v2 =	vld [tilespmem:s5+$0x1F0]  }
0xf4: {  	v4 =	vpack.i.f32.bf16 v4, v7;
	v7 =	vld [tilespmem:s5+$0x20]  }
0xf5: {  	[tilespmem:s17+$0x90] =	vst v4;
	v4 =	vld [tilespmem:s5+$0x60]  }
0xf6: {  	v1 =	vpack.i.f32.bf16 v1, v52;
	v58 =	vld [tilespmem:s5+$0xA0]  }
0xf7: {  	v0 =	vpack.i.f32.bf16 v0, v46;
	[tilespmem:s17+$0x110] =	vst v1;
	v1 =	vld [tilespmem:s5+$0xE0]  }
0xf8: {  	[tilespmem:s17+$0xFFFFFF10] =	vst v0;
	v0 =	vld [tilespmem:s5+$0xFFFFFEE0]  }
0xf9: {  	v54 =	vld [tilespmem:s5+$0xFFFFFF20]  }
0xfa: {  	v55 =	vld [tilespmem:s5+$0xFFFFFF60]  }
0xfb: {  	v5 =	vpack.i.f32.bf16 v5, v6;
	v6 =	vld [tilespmem:s5+$0x120]  }
0xfc: {  	[tilespmem:s17+$0xFFFFFE20] =	vst v5;
	v5 =	vld [tilespmem:s5+$0x160]  }
0xfd: {  	v59 =	vld [tilespmem:s5+$0xFFFFFE30];
	v0 =	vpack.i.f32.bf16 v0, v53  }
0xfe: {  	v14 =	vld [tilespmem:s5+$0xFFFFFE70];
	[tilespmem:s17+$0xFFFFFEA0] =	vst v0  }
0xff: {  	v0 =	vpack.i.f32.bf16 v55, v54;
	v60 =	vld [tilespmem:s5+$0xFFFFFEB0]  }
0x100: {  	[tilespmem:s17+$0xFFFFFF20] =	vst v0;
	v61 =	vld [tilespmem:s5+$0xFFFFFEF0]  }
0x101: {  	v0 =	vpack.i.f32.bf16 v57, v56;
	v62 =	vld [tilespmem:s5+$0xFFFFFF30]  }
0x102: {  	v2 =	vpack.i.f32.bf16 v2, v3;
	[tilespmem:s17+$0xFFFFFFA0] =	vst v0;
	v63 =	vld [tilespmem:s5+$0xFFFFFF70]  }
0x103: {  	[tilespmem:s17+$0x1B0] =	vst v2;
	v0 =	vpack.i.f32.bf16 v4, v7;
	v2 =	vld [tilespmem:s5+$0xFFFFFFB0]  }
0x104: {  	[tilespmem:s17+$0x20] =	vst v0;
	v0 =	vpack.i.f32.bf16 v1, v58;
	v7 =	vld [tilespmem:s5+$0xFFFFFFF0]  }
0x105: {  	v1 =	vpack.i.f32.bf16 v5, v6;
	[tilespmem:s17+$0xA0] =	vst v0;
	v0 =	vld [tilespmem:s5+$0x30]  }
0x106: {  	[tilespmem:s17+$0x120] =	vst v1;
	v1 =	vpack.i.f32.bf16 v14, v59;
	v3 =	vld [tilespmem:s5+$0x70]  }
0x107: {  	[tilespmem:s17+$0xFFFFFE30] =	vst v1;
	v1 =	vld [tilespmem:s5+$0xB0];
	v4 =	vpack.i.f32.bf16 v61, v60  }
0x108: {  	[tilespmem:s17+$0xFFFFFEB0] =	vst v4;
	v5 =	vpack.i.f32.bf16 v63, v62;
	v4 =	vld [tilespmem:s5+$0xF0]  }
0x109: {  	[tilespmem:s17+$0xFFFFFF30] =	vst v5;
	v5 =	vpack.i.f32.bf16 v7, v2;
	v2 =	vld [tilespmem:s5+$0x130]  }
0x10a: {  	s15 =	simm.s32 $0x0;
	[tilespmem:s17+$0xFFFFFFB0] =	vst v5;
	v5 =	vld [tilespmem:s5+$0x170];
	s5 =	simm.s32 $0x8A00  }
.LBB2_9:
0x10b: {  	v6 =	vld [tilespmem:s5+$0x180];
	v0 =	vpack.i.f32.bf16 v3, v0  }
0x10c: {  	v3 =	vld [tilespmem:s5+$0x1C0];
	[tilespmem:s17+$0x30] =	vst v0  }
0x10d: {  	v0 =	vld [tilespmem:s5+$0xFFFFFE40];
	v1 =	vpack.i.f32.bf16 v4, v1  }
0x10e: {  	v4 =	vld [tilespmem:s5+$0xFFFFFE80];
	[tilespmem:s17+$0xB0] =	vst v1  }
0x10f: {  	s15 =	sadd.s32 $0x8, s15;
	v1 =	vld [tilespmem:s5+$0xFFFFFEC0];
	v2 =	vpack.i.f32.bf16 v5, v2  }
0x110: {  	p2 =	slt.u32 s15, $0x38;
	v5 =	vld [tilespmem:s5+$0xFFFFFF00];
	[tilespmem:s17+$0x130] =	vst v2  }
0x111: {  	s17 =	sadd.s32 $0x400, s17;
	v2 =	vld [tilespmem:s5+$0xFFFFFF40];
	v3 =	vpack.i.f32.bf16 v3, v6  }
0x112: {  	v6 =	vld [tilespmem:s5+$0xFFFFFF80];
	[tilespmem:s17+$0x180] =	vst v3  }
0x113: {  	v3 =	vld [tilespmem:s5+$0x190]  }
0x114: {  	v1 =	vpack.i.f32.bf16 v1, v4;
	v4 =	vld [tilespmem:s5+$0x1D0]  }
0x115: {  	[tilespmem:s17+$0xFFFFFE80] =	vst v1;
	v1 =	vld [tilespmem:s5+$0xFFFFFFC0]  }
0x116: {  	v2 =	vpack.i.f32.bf16 v2, v5;
	v5 =	vld [tilespmem:s5+$0x0]  }
0x117: {  	[tilespmem:s17+$0xFFFFFF00] =	vst v2;
	v2 =	vld [tilespmem:s5+$0x40]  }
0x118: {  	v7 =	vld [tilespmem:s5+$0x80]  }
0x119: {  	v8 =	vld [tilespmem:s5+$0xC0];
	v3 =	vpack.i.f32.bf16 v4, v3  }
0x11a: {  	v1 =	vpack.i.f32.bf16 v1, v6;
	v4 =	vld [tilespmem:s5+$0x100];
	[tilespmem:s17+$0x190] =	vst v3  }
0x11b: {  	[tilespmem:s17+$0xFFFFFF80] =	vst v1;
	v1 =	vld [tilespmem:s5+$0x1A0]  }
0x11c: {  	v2 =	vpack.i.f32.bf16 v2, v5;
	v3 =	vld [tilespmem:s5+$0x1E0]  }
0x11d: {  	[tilespmem:s17+$0x0] =	vst v2;
	v2 =	vld [tilespmem:s5+$0x140]  }
0x11e: {  	v5 =	vld [tilespmem:s5+$0xFFFFFE00];
	v6 =	vpack.i.f32.bf16 v8, v7  }
0x11f: {  	v7 =	vld [tilespmem:s5+$0xFFFFFE90];
	[tilespmem:s17+$0x80] =	vst v6  }
0x120: {  	v6 =	vld [tilespmem:s5+$0xFFFFFED0]  }
0x121: {  	v8 =	vld [tilespmem:s5+$0xFFFFFF10];
	v1 =	vpack.i.f32.bf16 v3, v1  }
0x122: {  	v3 =	vld [tilespmem:s5+$0xFFFFFF50];
	v2 =	vpack.i.f32.bf16 v2, v4;
	[tilespmem:s17+$0x1A0] =	vst v1  }
0x123: {  	v0 =	vpack.i.f32.bf16 v0, v5;
	[tilespmem:s17+$0x100] =	vst v2;
	v1 =	vld [tilespmem:s5+$0x1B0]  }
0x124: {  	[tilespmem:s17+$0xFFFFFE00] =	vst v0;
	v0 =	vld [tilespmem:s5+$0x1F0]  }
0x125: {  	v2 =	vld [tilespmem:s5+$0xFFFFFE10];
	v4 =	vpack.i.f32.bf16 v6, v7  }
0x126: {  	v5 =	vld [tilespmem:s5+$0xFFFFFE50];
	[tilespmem:s17+$0xFFFFFE90] =	vst v4  }
0x127: {  	v3 =	vpack.i.f32.bf16 v3, v8;
	v4 =	vld [tilespmem:s5+$0xFFFFFF90]  }
0x128: {  	[tilespmem:s17+$0xFFFFFF10] =	vst v3;
	v3 =	vld [tilespmem:s5+$0xFFFFFFD0]  }
0x129: {  	v6 =	vld [tilespmem:s5+$0x10];
	v0 =	vpack.i.f32.bf16 v0, v1  }
0x12a: {  	v1 =	vld [tilespmem:s5+$0x50];
	[tilespmem:s17+$0x1B0] =	vst v0  }
0x12b: {  	v0 =	vpack.i.f32.bf16 v5, v2;
	v2 =	vld [tilespmem:s5+$0x90]  }
0x12c: {  	[tilespmem:s17+$0xFFFFFE10] =	vst v0;
	v0 =	vld [tilespmem:s5+$0xD0]  }
0x12d: {  	v3 =	vpack.i.f32.bf16 v3, v4;
	v4 =	vld [tilespmem:s5+$0x110]  }
0x12e: {  	[tilespmem:s17+$0xFFFFFF90] =	vst v3;
	v3 =	vld [tilespmem:s5+$0x150]  }
0x12f: {  	v5 =	vld [tilespmem:s5+$0xFFFFFE20];
	v1 =	vpack.i.f32.bf16 v1, v6  }
0x130: {  	v6 =	vld [tilespmem:s5+$0xFFFFFE60];
	[tilespmem:s17+$0x10] =	vst v1  }
0x131: {  	v1 =	vld [tilespmem:s5+$0xFFFFFEA0];
	v0 =	vpack.i.f32.bf16 v0, v2  }
0x132: {  	v2 =	vld [tilespmem:s5+$0xFFFFFEE0];
	[tilespmem:s17+$0x90] =	vst v0  }
0x133: {  	v0 =	vld [tilespmem:s5+$0xFFFFFF20];
	v3 =	vpack.i.f32.bf16 v3, v4  }
0x134: {  	v4 =	vld [tilespmem:s5+$0xFFFFFF60];
	[tilespmem:s17+$0x110] =	vst v3  }
0x135: {  	v3 =	vpack.i.f32.bf16 v6, v5;
	v5 =	vld [tilespmem:s5+$0xFFFFFFA0]  }
0x136: {  	[tilespmem:s17+$0xFFFFFE20] =	vst v3;
	v3 =	vld [tilespmem:s5+$0xFFFFFFE0]  }
0x137: {  	v1 =	vpack.i.f32.bf16 v2, v1;
	v2 =	vld [tilespmem:s5+$0x20]  }
0x138: {  	[tilespmem:s17+$0xFFFFFEA0] =	vst v1;
	v1 =	vld [tilespmem:s5+$0x60]  }
0x139: {  	v0 =	vpack.i.f32.bf16 v4, v0;
	v4 =	vld [tilespmem:s5+$0xA0]  }
0x13a: {  	[tilespmem:s17+$0xFFFFFF20] =	vst v0;
	v0 =	vld [tilespmem:s5+$0xE0]  }
0x13b: {  	v3 =	vpack.i.f32.bf16 v3, v5;
	v5 =	vld [tilespmem:s5+$0x120]  }
0x13c: {  	[tilespmem:s17+$0xFFFFFFA0] =	vst v3;
	v3 =	vld [tilespmem:s5+$0x160]  }
0x13d: {  	v6 =	vld [tilespmem:s5+$0xFFFFFE30];
	v1 =	vpack.i.f32.bf16 v1, v2  }
0x13e: {  	v2 =	vld [tilespmem:s5+$0xFFFFFE70];
	[tilespmem:s17+$0x20] =	vst v1  }
0x13f: {  	v1 =	vld [tilespmem:s5+$0xFFFFFEB0];
	v0 =	vpack.i.f32.bf16 v0, v4  }
0x140: {  	v4 =	vld [tilespmem:s5+$0xFFFFFEF0];
	[tilespmem:s17+$0xA0] =	vst v0  }
0x141: {  	v7 =	vld [tilespmem:s5+$0xFFFFFF30];
	v0 =	vpack.i.f32.bf16 v3, v5  }
0x142: {  	v5 =	vld [tilespmem:s5+$0xFFFFFF70];
	[tilespmem:s17+$0x120] =	vst v0  }
0x143: {  	v0 =	vpack.i.f32.bf16 v2, v6;
	v2 =	vld [tilespmem:s5+$0xFFFFFFB0]  }
0x144: {  	[tilespmem:s17+$0xFFFFFE30] =	vst v0;
	v6 =	vld [tilespmem:s5+$0xFFFFFFF0]  }
0x145: {  	v1 =	vpack.i.f32.bf16 v4, v1;
	v0 =	vld [tilespmem:s5+$0x30]  }
.Ltmp6:
0x146: {  	[tilespmem:s17+$0xFFFFFEB0] =	vst v1;
	v3 =	vld [tilespmem:s5+$0x70];
	(pc) =	sbr.rel @p2 .LBB2_9-.Ltmp6, $4  }
0x147: {  	v4 =	vpack.i.f32.bf16 v5, v7;
	v1 =	vld [tilespmem:s5+$0xB0]  }
0x148: {  	[tilespmem:s17+$0xFFFFFF30] =	vst v4;
	v4 =	vld [tilespmem:s5+$0xF0]  }
0x149: {  	v5 =	vpack.i.f32.bf16 v6, v2;
	v2 =	vld [tilespmem:s5+$0x130]  }
0x14a: {  	[tilespmem:s17+$0xFFFFFFB0] =	vst v5;
	v5 =	vld [tilespmem:s5+$0x170];
	s5 =	sadd.s32 $0x400, s5  }
0x14b: {  	_ =	sdelay $0x1  }
.Ltmp7:
0x14c: {  	v0 =	vpack.i.f32.bf16 v3, v0;
	s15 =	sshll.u32 s1, $0x8;
	(pc) =	sbr.rel @p1 .LBB2_12-.Ltmp7, $4  }
0x14d: {  	[tilespmem:s17+$0x30] =	vst v0;
	s5 =	sadd.s32 s15, s7;
	v62 =	vpack.i.f32.bf16 v4, v1  }
0x14e: {  	s5 =	sshll.u32 s5, $0x4;
	[tilespmem:s17+$0xB0] =	vst v62;
	v63 =	vpack.i.f32.bf16 v5, v2  }
0x14f: {  	s5 =	sadd.s32 s4, s5;
	[tilespmem:s17+$0x130] =	vst v63  }
0x150: {  	[hbm4b:s5+s2] =	stream.linear.scatter [tilespmem:s23], [sflag:$0x6], $0x2000, $0x38;
	[tilespmem:$0x16400] =	vst v63  }
.Ltmp8:
0x151: {  	(pc) =	sbr.rel .LBB2_13-.Ltmp8, $4  }
0x152: {  	_ = 	snop  }
0x153: {  	_ =	swait.ge [sflag:s24], $0x2000  }
0x154: {  	[sflag:s24] =	ssyncset.done $0x0  }
0x155: {  	[sflag:s24] =	ssyncadd.s32 $0xFFFFE000  }
.LBB2_12:
0x156: {  	s5 =	sshll.u32 s1, $0x9  }
0x157: {  	s5 =	sand.u32 $0x3FFFFE00, s5  }
.Ltmp9:
0x158: {  	s5 =	sadd.s32 $0x280, s5;
	(pc) =	sbr.rel @p0 .LBB2_14-.Ltmp9, $4  }
0x159: {  	[tilespmem:s14], [sflag:$0x2] =	stream.indirect.gather [hbm4b:s3+s12], $0x40, s5, s12, $0xb8;
	[tilespmem:$0x16400] =	vst v63  }
0x15a: {  	_ =	swait.ge [sflag:s24], $0x2000  }
0x15b: {  	[sflag:s24] =	ssyncset.done $0x0  }
0x15c: {  	[sflag:s24] =	ssyncadd.s32 $0xFFFFE000  }
.LBB2_13:
0x15d: {  	_ =	swait.ge [sflag:s25], $0x2000  }
0x15e: {  	[sflag:s25] =	ssyncset.done $0x0  }
0x15f: {  	[sflag:s25] =	ssyncadd.s32 $0xFFFFE000  }
.LBB2_14:
0x160: {  	s10 =	simm.s32 $0xA600  }
0x161: {  	v0 =	vld [tilespmem:s10+$0x180]  }
0x162: {  	v1 =	vld [tilespmem:s10+$0x1C0]  }
0x163: {  	v2 =	vld [tilespmem:s10+$0xFFFFFE40]  }
0x164: {  	v3 =	vld [tilespmem:s10+$0xFFFFFE80]  }
0x165: {  	v4 =	vld [tilespmem:s10+$0xFFFFFEC0]  }
0x166: {  	v5 =	vld [tilespmem:s10+$0xFFFFFF00]  }
0x167: {  	v6 =	vld [tilespmem:s10+$0xFFFFFF40]  }
0x168: {  	v8 =	vld [tilespmem:s10+$0xFFFFFFC0]  }
0x169: {  	v9 =	vld [tilespmem:s10+$0x0]  }
0x16a: {  	v10 =	vld [tilespmem:s10+$0x40]  }
0x16b: {  	v11 =	vld [tilespmem:s10+$0x80]  }
0x16c: {  	v12 =	vld [tilespmem:s10+$0xC0]  }
0x16d: {  	s17 =	simm.s32 $0x12600;
	v0 =	vpack.i.f32.bf16 v1, v0;
	v1 =	vld [tilespmem:s10+$0xFFFFFF80]  }
0x16e: {  	v3 =	vpack.i.f32.bf16 v4, v3;
	v4 =	vld [tilespmem:s10+$0x140];
	[tilespmem:s17+$0x180] =	vst v0  }
0x16f: {  	[tilespmem:s17+$0xFFFFFE80] =	vst v3;
	v3 =	vld [tilespmem:s10+$0xFFFFFE00]  }
0x170: {  	v0 =	vld [tilespmem:s10+$0x190]  }
0x171: {  	v7 =	vld [tilespmem:s10+$0x1D0]  }
0x172: {  	v5 =	vpack.i.f32.bf16 v6, v5;
	v6 =	vld [tilespmem:s10+$0xFFFFFE90]  }
0x173: {  	v9 =	vpack.i.f32.bf16 v10, v9;
	[tilespmem:s17+$0xFFFFFF00] =	vst v5;
	v5 =	vld [tilespmem:s10+$0xFFFFFED0]  }
0x174: {  	[tilespmem:s17+$0x0] =	vst v9;
	v46 =	vld [tilespmem:s10+$0xFFFFFF10]  }
0x175: {  	v50 =	vld [tilespmem:s10+$0x10]  }
0x176: {  	v51 =	vld [tilespmem:s10+$0x50];
	v1 =	vpack.i.f32.bf16 v8, v1  }
0x177: {  	[tilespmem:s17+$0xFFFFFF80] =	vst v1;
	v0 =	vpack.i.f32.bf16 v7, v0;
	v7 =	vld [tilespmem:s10+$0x100]  }
0x178: {  	v2 =	vpack.i.f32.bf16 v2, v3;
	v48 =	vld [tilespmem:s10+$0xFFFFFF90]  }
0x179: {  	[tilespmem:s17+$0xFFFFFE00] =	vst v2;
	v49 =	vld [tilespmem:s10+$0xFFFFFFD0]  }
0x17a: {  	v47 =	vld [tilespmem:s10+$0xFFFFFE10]  }
0x17b: {  	[tilespmem:s17+$0x190] =	vst v0;
	v1 =	vld [tilespmem:s10+$0xFFFFFE50]  }
0x17c: {  	v5 =	vpack.i.f32.bf16 v5, v6;
	v0 =	vld [tilespmem:s10+$0x1A0]  }
0x17d: {  	v11 =	vpack.i.f32.bf16 v12, v11;
	[tilespmem:s17+$0xFFFFFE90] =	vst v5;
	v13 =	vld [tilespmem:s10+$0x1E0]  }
0x17e: {  	[tilespmem:s17+$0x80] =	vst v11;
	v53 =	vld [tilespmem:s10+$0xFFFFFEA0]  }
0x17f: {  	v4 =	vpack.i.f32.bf16 v4, v7;
	v7 =	vld [tilespmem:s10+$0x90]  }
0x180: {  	v9 =	vpack.i.f32.bf16 v49, v48;
	[tilespmem:s17+$0x100] =	vst v4;
	v4 =	vld [tilespmem:s10+$0xD0]  }
0x181: {  	v1 =	vpack.i.f32.bf16 v1, v47;
	[tilespmem:s17+$0xFFFFFF90] =	vst v9;
	v52 =	vld [tilespmem:s10+$0x110]  }
0x182: {  	[tilespmem:s17+$0xFFFFFE10] =	vst v1;
	v1 =	vld [tilespmem:s10+$0x150]  }
0x183: {  	v56 =	vld [tilespmem:s10+$0xFFFFFFA0]  }
0x184: {  	v0 =	vpack.i.f32.bf16 v13, v0;
	v57 =	vld [tilespmem:s10+$0xFFFFFFE0]  }
0x185: {  	[tilespmem:s17+$0x1A0] =	vst v0;
	v0 =	vld [tilespmem:s10+$0xFFFFFF50]  }
0x186: {  	v6 =	vld [tilespmem:s10+$0xFFFFFE20]  }
0x187: {  	v5 =	vld [tilespmem:s10+$0xFFFFFE60]  }
0x188: {  	v11 =	vpack.i.f32.bf16 v51, v50;
	v3 =	vld [tilespmem:s10+$0x1B0]  }
0x189: {  	[tilespmem:s17+$0x10] =	vst v11;
	v2 =	vld [tilespmem:s10+$0x1F0]  }
0x18a: {  	v4 =	vpack.i.f32.bf16 v4, v7;
	v7 =	vld [tilespmem:s10+$0x20]  }
0x18b: {  	[tilespmem:s17+$0x90] =	vst v4;
	v4 =	vld [tilespmem:s10+$0x60]  }
0x18c: {  	v1 =	vpack.i.f32.bf16 v1, v52;
	v58 =	vld [tilespmem:s10+$0xA0]  }
0x18d: {  	v0 =	vpack.i.f32.bf16 v0, v46;
	[tilespmem:s17+$0x110] =	vst v1;
	v1 =	vld [tilespmem:s10+$0xE0]  }
0x18e: {  	[tilespmem:s17+$0xFFFFFF10] =	vst v0;
	v0 =	vld [tilespmem:s10+$0xFFFFFEE0]  }
0x18f: {  	v54 =	vld [tilespmem:s10+$0xFFFFFF20]  }
0x190: {  	v55 =	vld [tilespmem:s10+$0xFFFFFF60]  }
0x191: {  	v5 =	vpack.i.f32.bf16 v5, v6;
	v6 =	vld [tilespmem:s10+$0x120]  }
0x192: {  	[tilespmem:s17+$0xFFFFFE20] =	vst v5;
	v5 =	vld [tilespmem:s10+$0x160]  }
0x193: {  	v59 =	vld [tilespmem:s10+$0xFFFFFE30];
	v0 =	vpack.i.f32.bf16 v0, v53  }
0x194: {  	v14 =	vld [tilespmem:s10+$0xFFFFFE70];
	[tilespmem:s17+$0xFFFFFEA0] =	vst v0  }
0x195: {  	v0 =	vpack.i.f32.bf16 v55, v54;
	v60 =	vld [tilespmem:s10+$0xFFFFFEB0]  }
0x196: {  	[tilespmem:s17+$0xFFFFFF20] =	vst v0;
	v61 =	vld [tilespmem:s10+$0xFFFFFEF0]  }
0x197: {  	v0 =	vpack.i.f32.bf16 v57, v56;
	v62 =	vld [tilespmem:s10+$0xFFFFFF30]  }
0x198: {  	v2 =	vpack.i.f32.bf16 v2, v3;
	[tilespmem:s17+$0xFFFFFFA0] =	vst v0;
	v3 =	vld [tilespmem:s10+$0xFFFFFF70]  }
0x199: {  	[tilespmem:s17+$0x1B0] =	vst v2;
	v0 =	vpack.i.f32.bf16 v4, v7;
	v7 =	vld [tilespmem:s10+$0xFFFFFFB0]  }
0x19a: {  	[tilespmem:s17+$0x20] =	vst v0;
	v0 =	vpack.i.f32.bf16 v1, v58;
	v63 =	vld [tilespmem:s10+$0xFFFFFFF0]  }
0x19b: {  	v1 =	vpack.i.f32.bf16 v5, v6;
	[tilespmem:s17+$0xA0] =	vst v0;
	v0 =	vld [tilespmem:s10+$0x30]  }
0x19c: {  	[tilespmem:s17+$0x120] =	vst v1;
	v1 =	vpack.i.f32.bf16 v14, v59;
	v2 =	vld [tilespmem:s10+$0x70]  }
0x19d: {  	[tilespmem:s17+$0xFFFFFE30] =	vst v1;
	v1 =	vld [tilespmem:s10+$0xB0];
	v4 =	vpack.i.f32.bf16 v61, v60  }
0x19e: {  	[tilespmem:s17+$0xFFFFFEB0] =	vst v4;
	v3 =	vpack.i.f32.bf16 v3, v62;
	v4 =	vld [tilespmem:s10+$0xF0]  }
0x19f: {  	[tilespmem:s17+$0xFFFFFF30] =	vst v3;
	v5 =	vpack.i.f32.bf16 v63, v7;
	v3 =	vld [tilespmem:s10+$0x130]  }
0x1a0: {  	s5 =	simm.s32 $0x0;
	[tilespmem:s17+$0xFFFFFFB0] =	vst v5;
	v5 =	vld [tilespmem:s10+$0x170];
	s10 =	simm.s32 $0xAA00  }
.LBB2_15:
0x1a1: {  	v6 =	vld [tilespmem:s10+$0x180];
	v0 =	vpack.i.f32.bf16 v2, v0  }
0x1a2: {  	v2 =	vld [tilespmem:s10+$0x1C0];
	[tilespmem:s17+$0x30] =	vst v0  }
0x1a3: {  	v0 =	vld [tilespmem:s10+$0xFFFFFE40];
	v1 =	vpack.i.f32.bf16 v4, v1  }
0x1a4: {  	v4 =	vld [tilespmem:s10+$0xFFFFFE80];
	[tilespmem:s17+$0xB0] =	vst v1  }
0x1a5: {  	s5 =	sadd.s32 $0x8, s5;
	v1 =	vld [tilespmem:s10+$0xFFFFFEC0];
	v3 =	vpack.i.f32.bf16 v5, v3  }
0x1a6: {  	p2 =	slt.u32 s5, $0x38;
	v5 =	vld [tilespmem:s10+$0xFFFFFF00];
	[tilespmem:s17+$0x130] =	vst v3  }
0x1a7: {  	s17 =	sadd.s32 $0x400, s17;
	v3 =	vld [tilespmem:s10+$0xFFFFFF40];
	v2 =	vpack.i.f32.bf16 v2, v6  }
0x1a8: {  	v6 =	vld [tilespmem:s10+$0xFFFFFF80];
	[tilespmem:s17+$0x180] =	vst v2  }
0x1a9: {  	v2 =	vld [tilespmem:s10+$0x190]  }
0x1aa: {  	v1 =	vpack.i.f32.bf16 v1, v4;
	v4 =	vld [tilespmem:s10+$0x1D0]  }
0x1ab: {  	[tilespmem:s17+$0xFFFFFE80] =	vst v1;
	v1 =	vld [tilespmem:s10+$0xFFFFFFC0]  }
0x1ac: {  	v3 =	vpack.i.f32.bf16 v3, v5;
	v5 =	vld [tilespmem:s10+$0x0]  }
0x1ad: {  	[tilespmem:s17+$0xFFFFFF00] =	vst v3;
	v3 =	vld [tilespmem:s10+$0x40]  }
0x1ae: {  	v7 =	vld [tilespmem:s10+$0x80]  }
0x1af: {  	v8 =	vld [tilespmem:s10+$0xC0];
	v2 =	vpack.i.f32.bf16 v4, v2  }
0x1b0: {  	v1 =	vpack.i.f32.bf16 v1, v6;
	v4 =	vld [tilespmem:s10+$0x100];
	[tilespmem:s17+$0x190] =	vst v2  }
0x1b1: {  	[tilespmem:s17+$0xFFFFFF80] =	vst v1;
	v1 =	vld [tilespmem:s10+$0x1A0]  }
0x1b2: {  	v2 =	vpack.i.f32.bf16 v3, v5;
	v3 =	vld [tilespmem:s10+$0x1E0]  }
0x1b3: {  	[tilespmem:s17+$0x0] =	vst v2;
	v2 =	vld [tilespmem:s10+$0x140]  }
0x1b4: {  	v5 =	vld [tilespmem:s10+$0xFFFFFE00];
	v6 =	vpack.i.f32.bf16 v8, v7  }
0x1b5: {  	v7 =	vld [tilespmem:s10+$0xFFFFFE90];
	[tilespmem:s17+$0x80] =	vst v6  }
0x1b6: {  	v6 =	vld [tilespmem:s10+$0xFFFFFED0]  }
0x1b7: {  	v8 =	vld [tilespmem:s10+$0xFFFFFF10];
	v1 =	vpack.i.f32.bf16 v3, v1  }
0x1b8: {  	v3 =	vld [tilespmem:s10+$0xFFFFFF50];
	v2 =	vpack.i.f32.bf16 v2, v4;
	[tilespmem:s17+$0x1A0] =	vst v1  }
0x1b9: {  	v0 =	vpack.i.f32.bf16 v0, v5;
	[tilespmem:s17+$0x100] =	vst v2;
	v1 =	vld [tilespmem:s10+$0x1B0]  }
0x1ba: {  	[tilespmem:s17+$0xFFFFFE00] =	vst v0;
	v0 =	vld [tilespmem:s10+$0x1F0]  }
0x1bb: {  	v2 =	vld [tilespmem:s10+$0xFFFFFE10];
	v4 =	vpack.i.f32.bf16 v6, v7  }
0x1bc: {  	v5 =	vld [tilespmem:s10+$0xFFFFFE50];
	[tilespmem:s17+$0xFFFFFE90] =	vst v4  }
0x1bd: {  	v3 =	vpack.i.f32.bf16 v3, v8;
	v4 =	vld [tilespmem:s10+$0xFFFFFF90]  }
0x1be: {  	[tilespmem:s17+$0xFFFFFF10] =	vst v3;
	v3 =	vld [tilespmem:s10+$0xFFFFFFD0]  }
0x1bf: {  	v6 =	vld [tilespmem:s10+$0x10];
	v0 =	vpack.i.f32.bf16 v0, v1  }
0x1c0: {  	v1 =	vld [tilespmem:s10+$0x50];
	[tilespmem:s17+$0x1B0] =	vst v0  }
0x1c1: {  	v0 =	vpack.i.f32.bf16 v5, v2;
	v2 =	vld [tilespmem:s10+$0x90]  }
0x1c2: {  	[tilespmem:s17+$0xFFFFFE10] =	vst v0;
	v0 =	vld [tilespmem:s10+$0xD0]  }
0x1c3: {  	v3 =	vpack.i.f32.bf16 v3, v4;
	v4 =	vld [tilespmem:s10+$0x110]  }
0x1c4: {  	[tilespmem:s17+$0xFFFFFF90] =	vst v3;
	v3 =	vld [tilespmem:s10+$0x150]  }
0x1c5: {  	v5 =	vld [tilespmem:s10+$0xFFFFFE20];
	v1 =	vpack.i.f32.bf16 v1, v6  }
0x1c6: {  	v6 =	vld [tilespmem:s10+$0xFFFFFE60];
	[tilespmem:s17+$0x10] =	vst v1  }
0x1c7: {  	v1 =	vld [tilespmem:s10+$0xFFFFFEA0];
	v0 =	vpack.i.f32.bf16 v0, v2  }
0x1c8: {  	v2 =	vld [tilespmem:s10+$0xFFFFFEE0];
	[tilespmem:s17+$0x90] =	vst v0  }
0x1c9: {  	v0 =	vld [tilespmem:s10+$0xFFFFFF20];
	v3 =	vpack.i.f32.bf16 v3, v4  }
0x1ca: {  	v4 =	vld [tilespmem:s10+$0xFFFFFF60];
	[tilespmem:s17+$0x110] =	vst v3  }
0x1cb: {  	v3 =	vpack.i.f32.bf16 v6, v5;
	v5 =	vld [tilespmem:s10+$0xFFFFFFA0]  }
0x1cc: {  	[tilespmem:s17+$0xFFFFFE20] =	vst v3;
	v3 =	vld [tilespmem:s10+$0xFFFFFFE0]  }
0x1cd: {  	v1 =	vpack.i.f32.bf16 v2, v1;
	v2 =	vld [tilespmem:s10+$0x20]  }
0x1ce: {  	[tilespmem:s17+$0xFFFFFEA0] =	vst v1;
	v1 =	vld [tilespmem:s10+$0x60]  }
0x1cf: {  	v0 =	vpack.i.f32.bf16 v4, v0;
	v4 =	vld [tilespmem:s10+$0xA0]  }
0x1d0: {  	[tilespmem:s17+$0xFFFFFF20] =	vst v0;
	v0 =	vld [tilespmem:s10+$0xE0]  }
0x1d1: {  	v3 =	vpack.i.f32.bf16 v3, v5;
	v5 =	vld [tilespmem:s10+$0x120]  }
0x1d2: {  	[tilespmem:s17+$0xFFFFFFA0] =	vst v3;
	v3 =	vld [tilespmem:s10+$0x160]  }
0x1d3: {  	v6 =	vld [tilespmem:s10+$0xFFFFFE30];
	v1 =	vpack.i.f32.bf16 v1, v2  }
0x1d4: {  	v2 =	vld [tilespmem:s10+$0xFFFFFE70];
	[tilespmem:s17+$0x20] =	vst v1  }
0x1d5: {  	v1 =	vld [tilespmem:s10+$0xFFFFFEB0];
	v0 =	vpack.i.f32.bf16 v0, v4  }
0x1d6: {  	v4 =	vld [tilespmem:s10+$0xFFFFFEF0];
	[tilespmem:s17+$0xA0] =	vst v0  }
0x1d7: {  	v7 =	vld [tilespmem:s10+$0xFFFFFF30];
	v0 =	vpack.i.f32.bf16 v3, v5  }
0x1d8: {  	v3 =	vld [tilespmem:s10+$0xFFFFFF70];
	[tilespmem:s17+$0x120] =	vst v0  }
0x1d9: {  	v0 =	vpack.i.f32.bf16 v2, v6;
	v5 =	vld [tilespmem:s10+$0xFFFFFFB0]  }
0x1da: {  	[tilespmem:s17+$0xFFFFFE30] =	vst v0;
	v6 =	vld [tilespmem:s10+$0xFFFFFFF0]  }
0x1db: {  	v1 =	vpack.i.f32.bf16 v4, v1;
	v0 =	vld [tilespmem:s10+$0x30]  }
.Ltmp10:
0x1dc: {  	[tilespmem:s17+$0xFFFFFEB0] =	vst v1;
	v2 =	vld [tilespmem:s10+$0x70];
	(pc) =	sbr.rel @p2 .LBB2_15-.Ltmp10, $4  }
0x1dd: {  	v3 =	vpack.i.f32.bf16 v3, v7;
	v1 =	vld [tilespmem:s10+$0xB0]  }
0x1de: {  	[tilespmem:s17+$0xFFFFFF30] =	vst v3;
	v4 =	vld [tilespmem:s10+$0xF0]  }
0x1df: {  	v5 =	vpack.i.f32.bf16 v6, v5;
	v3 =	vld [tilespmem:s10+$0x130]  }
0x1e0: {  	[tilespmem:s17+$0xFFFFFFB0] =	vst v5;
	v5 =	vld [tilespmem:s10+$0x170];
	s10 =	sadd.s32 $0x400, s10  }
0x1e1: {  	_ =	sdelay $0x1  }
.Ltmp11:
0x1e2: {  	v0 =	vpack.i.f32.bf16 v2, v0;
	(pc) =	sbr.rel @p1 .LBB2_18-.Ltmp11, $4  }
0x1e3: {  	s5 =	sadd.s32 s15, s8;
	[tilespmem:s17+$0x30] =	vst v0;
	v62 =	vpack.i.f32.bf16 v4, v1  }
0x1e4: {  	s5 =	sshll.u32 s5, $0x4;
	[tilespmem:s17+$0xB0] =	vst v62;
	v63 =	vpack.i.f32.bf16 v5, v3  }
0x1e5: {  	s5 =	sadd.s32 s4, s5;
	[tilespmem:s17+$0x130] =	vst v63  }
0x1e6: {  	[hbm4b:s5+s2] =	stream.linear.scatter [tilespmem:s26], [sflag:$0x7], $0x2000, $0x38;
	[tilespmem:$0x16400] =	vst v63  }
.Ltmp12:
0x1e7: {  	(pc) =	sbr.rel .LBB2_19-.Ltmp12, $4  }
0x1e8: {  	_ = 	snop  }
0x1e9: {  	_ =	swait.ge [sflag:s28], $0x2000  }
0x1ea: {  	[sflag:s28] =	ssyncset.done $0x0  }
0x1eb: {  	[sflag:s28] =	ssyncadd.s32 $0xFFFFE000  }
.LBB2_18:
0x1ec: {  	s5 =	sshll.u32 s1, $0x9  }
0x1ed: {  	s5 =	sand.u32 $0x3FFFFE00, s5  }
.Ltmp13:
0x1ee: {  	s5 =	sadd.s32 $0x300, s5;
	(pc) =	sbr.rel @p0 .LBB2_20-.Ltmp13, $4  }
0x1ef: {  	[tilespmem:s16], [sflag:$0x3] =	stream.indirect.gather [hbm4b:s3+s12], $0x40, s5, s12, $0xb8;
	[tilespmem:$0x16400] =	vst v63  }
0x1f0: {  	_ =	swait.ge [sflag:s28], $0x2000  }
0x1f1: {  	[sflag:s28] =	ssyncset.done $0x0  }
0x1f2: {  	[sflag:s28] =	ssyncadd.s32 $0xFFFFE000  }
.LBB2_19:
0x1f3: {  	_ =	swait.ge [sflag:s29], $0x2000  }
0x1f4: {  	[sflag:s29] =	ssyncset.done $0x0  }
0x1f5: {  	[sflag:s29] =	ssyncadd.s32 $0xFFFFE000  }
.LBB2_20:
0x1f6: {  	s10 =	simm.s32 $0xC600  }
0x1f7: {  	v0 =	vld [tilespmem:s10+$0x180]  }
0x1f8: {  	v1 =	vld [tilespmem:s10+$0x1C0]  }
0x1f9: {  	v2 =	vld [tilespmem:s10+$0xFFFFFE40]  }
0x1fa: {  	v3 =	vld [tilespmem:s10+$0xFFFFFE80]  }
0x1fb: {  	v4 =	vld [tilespmem:s10+$0xFFFFFEC0]  }
0x1fc: {  	v5 =	vld [tilespmem:s10+$0xFFFFFF00]  }
0x1fd: {  	v6 =	vld [tilespmem:s10+$0xFFFFFF40]  }
0x1fe: {  	v8 =	vld [tilespmem:s10+$0xFFFFFFC0]  }
0x1ff: {  	v9 =	vld [tilespmem:s10+$0x0]  }
0x200: {  	v10 =	vld [tilespmem:s10+$0x40]  }
0x201: {  	v11 =	vld [tilespmem:s10+$0x80]  }
0x202: {  	v12 =	vld [tilespmem:s10+$0xC0]  }
0x203: {  	s17 =	simm.s32 $0x14600;
	v0 =	vpack.i.f32.bf16 v1, v0;
	v1 =	vld [tilespmem:s10+$0xFFFFFF80]  }
0x204: {  	v3 =	vpack.i.f32.bf16 v4, v3;
	v4 =	vld [tilespmem:s10+$0x140];
	[tilespmem:s17+$0x180] =	vst v0  }
0x205: {  	[tilespmem:s17+$0xFFFFFE80] =	vst v3;
	v3 =	vld [tilespmem:s10+$0xFFFFFE00]  }
0x206: {  	v0 =	vld [tilespmem:s10+$0x190]  }
0x207: {  	v7 =	vld [tilespmem:s10+$0x1D0]  }
0x208: {  	v5 =	vpack.i.f32.bf16 v6, v5;
	v6 =	vld [tilespmem:s10+$0xFFFFFE90]  }
0x209: {  	v9 =	vpack.i.f32.bf16 v10, v9;
	[tilespmem:s17+$0xFFFFFF00] =	vst v5;
	v5 =	vld [tilespmem:s10+$0xFFFFFED0]  }
0x20a: {  	[tilespmem:s17+$0x0] =	vst v9;
	v46 =	vld [tilespmem:s10+$0xFFFFFF10]  }
0x20b: {  	v50 =	vld [tilespmem:s10+$0x10]  }
0x20c: {  	v51 =	vld [tilespmem:s10+$0x50];
	v1 =	vpack.i.f32.bf16 v8, v1  }
0x20d: {  	[tilespmem:s17+$0xFFFFFF80] =	vst v1;
	v0 =	vpack.i.f32.bf16 v7, v0;
	v7 =	vld [tilespmem:s10+$0x100]  }
0x20e: {  	v2 =	vpack.i.f32.bf16 v2, v3;
	v48 =	vld [tilespmem:s10+$0xFFFFFF90]  }
0x20f: {  	[tilespmem:s17+$0xFFFFFE00] =	vst v2;
	v49 =	vld [tilespmem:s10+$0xFFFFFFD0]  }
0x210: {  	v47 =	vld [tilespmem:s10+$0xFFFFFE10]  }
0x211: {  	[tilespmem:s17+$0x190] =	vst v0;
	v1 =	vld [tilespmem:s10+$0xFFFFFE50]  }
0x212: {  	v5 =	vpack.i.f32.bf16 v5, v6;
	v0 =	vld [tilespmem:s10+$0x1A0]  }
0x213: {  	v11 =	vpack.i.f32.bf16 v12, v11;
	[tilespmem:s17+$0xFFFFFE90] =	vst v5;
	v13 =	vld [tilespmem:s10+$0x1E0]  }
0x214: {  	[tilespmem:s17+$0x80] =	vst v11;
	v53 =	vld [tilespmem:s10+$0xFFFFFEA0]  }
0x215: {  	v4 =	vpack.i.f32.bf16 v4, v7;
	v7 =	vld [tilespmem:s10+$0x90]  }
0x216: {  	v9 =	vpack.i.f32.bf16 v49, v48;
	[tilespmem:s17+$0x100] =	vst v4;
	v4 =	vld [tilespmem:s10+$0xD0]  }
0x217: {  	v1 =	vpack.i.f32.bf16 v1, v47;
	[tilespmem:s17+$0xFFFFFF90] =	vst v9;
	v52 =	vld [tilespmem:s10+$0x110]  }
0x218: {  	[tilespmem:s17+$0xFFFFFE10] =	vst v1;
	v1 =	vld [tilespmem:s10+$0x150]  }
0x219: {  	v56 =	vld [tilespmem:s10+$0xFFFFFFA0]  }
0x21a: {  	v0 =	vpack.i.f32.bf16 v13, v0;
	v57 =	vld [tilespmem:s10+$0xFFFFFFE0]  }
0x21b: {  	[tilespmem:s17+$0x1A0] =	vst v0;
	v0 =	vld [tilespmem:s10+$0xFFFFFF50]  }
0x21c: {  	v6 =	vld [tilespmem:s10+$0xFFFFFE20]  }
0x21d: {  	v5 =	vld [tilespmem:s10+$0xFFFFFE60]  }
0x21e: {  	v11 =	vpack.i.f32.bf16 v51, v50;
	v3 =	vld [tilespmem:s10+$0x1B0]  }
0x21f: {  	[tilespmem:s17+$0x10] =	vst v11;
	v2 =	vld [tilespmem:s10+$0x1F0]  }
0x220: {  	v4 =	vpack.i.f32.bf16 v4, v7;
	v7 =	vld [tilespmem:s10+$0x20]  }
0x221: {  	[tilespmem:s17+$0x90] =	vst v4;
	v4 =	vld [tilespmem:s10+$0x60]  }
0x222: {  	v1 =	vpack.i.f32.bf16 v1, v52;
	v58 =	vld [tilespmem:s10+$0xA0]  }
0x223: {  	v0 =	vpack.i.f32.bf16 v0, v46;
	[tilespmem:s17+$0x110] =	vst v1;
	v1 =	vld [tilespmem:s10+$0xE0]  }
0x224: {  	[tilespmem:s17+$0xFFFFFF10] =	vst v0;
	v0 =	vld [tilespmem:s10+$0xFFFFFEE0]  }
0x225: {  	v54 =	vld [tilespmem:s10+$0xFFFFFF20]  }
0x226: {  	v55 =	vld [tilespmem:s10+$0xFFFFFF60]  }
0x227: {  	v5 =	vpack.i.f32.bf16 v5, v6;
	v6 =	vld [tilespmem:s10+$0x120]  }
0x228: {  	[tilespmem:s17+$0xFFFFFE20] =	vst v5;
	v5 =	vld [tilespmem:s10+$0x160]  }
0x229: {  	v59 =	vld [tilespmem:s10+$0xFFFFFE30];
	v0 =	vpack.i.f32.bf16 v0, v53  }
0x22a: {  	v14 =	vld [tilespmem:s10+$0xFFFFFE70];
	[tilespmem:s17+$0xFFFFFEA0] =	vst v0  }
0x22b: {  	v0 =	vpack.i.f32.bf16 v55, v54;
	v60 =	vld [tilespmem:s10+$0xFFFFFEB0]  }
0x22c: {  	[tilespmem:s17+$0xFFFFFF20] =	vst v0;
	v61 =	vld [tilespmem:s10+$0xFFFFFEF0]  }
0x22d: {  	v0 =	vpack.i.f32.bf16 v57, v56;
	v62 =	vld [tilespmem:s10+$0xFFFFFF30]  }
0x22e: {  	v2 =	vpack.i.f32.bf16 v2, v3;
	[tilespmem:s17+$0xFFFFFFA0] =	vst v0;
	v3 =	vld [tilespmem:s10+$0xFFFFFF70]  }
0x22f: {  	[tilespmem:s17+$0x1B0] =	vst v2;
	v0 =	vpack.i.f32.bf16 v4, v7;
	v7 =	vld [tilespmem:s10+$0xFFFFFFB0]  }
0x230: {  	[tilespmem:s17+$0x20] =	vst v0;
	v0 =	vpack.i.f32.bf16 v1, v58;
	v63 =	vld [tilespmem:s10+$0xFFFFFFF0]  }
0x231: {  	v1 =	vpack.i.f32.bf16 v5, v6;
	[tilespmem:s17+$0xA0] =	vst v0;
	v0 =	vld [tilespmem:s10+$0x30]  }
0x232: {  	[tilespmem:s17+$0x120] =	vst v1;
	v1 =	vpack.i.f32.bf16 v14, v59;
	v2 =	vld [tilespmem:s10+$0x70]  }
0x233: {  	[tilespmem:s17+$0xFFFFFE30] =	vst v1;
	v1 =	vld [tilespmem:s10+$0xB0];
	v4 =	vpack.i.f32.bf16 v61, v60  }
0x234: {  	[tilespmem:s17+$0xFFFFFEB0] =	vst v4;
	v3 =	vpack.i.f32.bf16 v3, v62;
	v4 =	vld [tilespmem:s10+$0xF0]  }
0x235: {  	[tilespmem:s17+$0xFFFFFF30] =	vst v3;
	v5 =	vpack.i.f32.bf16 v63, v7;
	v3 =	vld [tilespmem:s10+$0x130]  }
0x236: {  	s5 =	simm.s32 $0x0;
	[tilespmem:s17+$0xFFFFFFB0] =	vst v5;
	v5 =	vld [tilespmem:s10+$0x170];
	s10 =	simm.s32 $0xCA00  }
.LBB2_21:
0x237: {  	v6 =	vld [tilespmem:s10+$0x180];
	v0 =	vpack.i.f32.bf16 v2, v0  }
0x238: {  	v2 =	vld [tilespmem:s10+$0x1C0];
	[tilespmem:s17+$0x30] =	vst v0  }
0x239: {  	v0 =	vld [tilespmem:s10+$0xFFFFFE40];
	v1 =	vpack.i.f32.bf16 v4, v1  }
0x23a: {  	v4 =	vld [tilespmem:s10+$0xFFFFFE80];
	[tilespmem:s17+$0xB0] =	vst v1  }
0x23b: {  	s5 =	sadd.s32 $0x8, s5;
	v1 =	vld [tilespmem:s10+$0xFFFFFEC0];
	v3 =	vpack.i.f32.bf16 v5, v3  }
0x23c: {  	p0 =	slt.u32 s5, $0x38;
	v5 =	vld [tilespmem:s10+$0xFFFFFF00];
	[tilespmem:s17+$0x130] =	vst v3  }
0x23d: {  	s17 =	sadd.s32 $0x400, s17;
	v3 =	vld [tilespmem:s10+$0xFFFFFF40];
	v2 =	vpack.i.f32.bf16 v2, v6  }
0x23e: {  	v6 =	vld [tilespmem:s10+$0xFFFFFF80];
	[tilespmem:s17+$0x180] =	vst v2  }
0x23f: {  	v2 =	vld [tilespmem:s10+$0x190]  }
0x240: {  	v1 =	vpack.i.f32.bf16 v1, v4;
	v4 =	vld [tilespmem:s10+$0x1D0]  }
0x241: {  	[tilespmem:s17+$0xFFFFFE80] =	vst v1;
	v1 =	vld [tilespmem:s10+$0xFFFFFFC0]  }
0x242: {  	v3 =	vpack.i.f32.bf16 v3, v5;
	v5 =	vld [tilespmem:s10+$0x0]  }
0x243: {  	[tilespmem:s17+$0xFFFFFF00] =	vst v3;
	v3 =	vld [tilespmem:s10+$0x40]  }
0x244: {  	v7 =	vld [tilespmem:s10+$0x80]  }
0x245: {  	v8 =	vld [tilespmem:s10+$0xC0];
	v2 =	vpack.i.f32.bf16 v4, v2  }
0x246: {  	v1 =	vpack.i.f32.bf16 v1, v6;
	v4 =	vld [tilespmem:s10+$0x100];
	[tilespmem:s17+$0x190] =	vst v2  }
0x247: {  	[tilespmem:s17+$0xFFFFFF80] =	vst v1;
	v1 =	vld [tilespmem:s10+$0x1A0]  }
0x248: {  	v2 =	vpack.i.f32.bf16 v3, v5;
	v3 =	vld [tilespmem:s10+$0x1E0]  }
0x249: {  	[tilespmem:s17+$0x0] =	vst v2;
	v2 =	vld [tilespmem:s10+$0x140]  }
0x24a: {  	v5 =	vld [tilespmem:s10+$0xFFFFFE00];
	v6 =	vpack.i.f32.bf16 v8, v7  }
0x24b: {  	v7 =	vld [tilespmem:s10+$0xFFFFFE90];
	[tilespmem:s17+$0x80] =	vst v6  }
0x24c: {  	v6 =	vld [tilespmem:s10+$0xFFFFFED0]  }
0x24d: {  	v8 =	vld [tilespmem:s10+$0xFFFFFF10];
	v1 =	vpack.i.f32.bf16 v3, v1  }
0x24e: {  	v3 =	vld [tilespmem:s10+$0xFFFFFF50];
	v2 =	vpack.i.f32.bf16 v2, v4;
	[tilespmem:s17+$0x1A0] =	vst v1  }
0x24f: {  	v0 =	vpack.i.f32.bf16 v0, v5;
	[tilespmem:s17+$0x100] =	vst v2;
	v1 =	vld [tilespmem:s10+$0x1B0]  }
0x250: {  	[tilespmem:s17+$0xFFFFFE00] =	vst v0;
	v0 =	vld [tilespmem:s10+$0x1F0]  }
0x251: {  	v2 =	vld [tilespmem:s10+$0xFFFFFE10];
	v4 =	vpack.i.f32.bf16 v6, v7  }
0x252: {  	v5 =	vld [tilespmem:s10+$0xFFFFFE50];
	[tilespmem:s17+$0xFFFFFE90] =	vst v4  }
0x253: {  	v3 =	vpack.i.f32.bf16 v3, v8;
	v4 =	vld [tilespmem:s10+$0xFFFFFF90]  }
0x254: {  	[tilespmem:s17+$0xFFFFFF10] =	vst v3;
	v3 =	vld [tilespmem:s10+$0xFFFFFFD0]  }
0x255: {  	v6 =	vld [tilespmem:s10+$0x10];
	v0 =	vpack.i.f32.bf16 v0, v1  }
0x256: {  	v1 =	vld [tilespmem:s10+$0x50];
	[tilespmem:s17+$0x1B0] =	vst v0  }
0x257: {  	v0 =	vpack.i.f32.bf16 v5, v2;
	v2 =	vld [tilespmem:s10+$0x90]  }
0x258: {  	[tilespmem:s17+$0xFFFFFE10] =	vst v0;
	v0 =	vld [tilespmem:s10+$0xD0]  }
0x259: {  	v3 =	vpack.i.f32.bf16 v3, v4;
	v4 =	vld [tilespmem:s10+$0x110]  }
0x25a: {  	[tilespmem:s17+$0xFFFFFF90] =	vst v3;
	v3 =	vld [tilespmem:s10+$0x150]  }
0x25b: {  	v5 =	vld [tilespmem:s10+$0xFFFFFE20];
	v1 =	vpack.i.f32.bf16 v1, v6  }
0x25c: {  	v6 =	vld [tilespmem:s10+$0xFFFFFE60];
	[tilespmem:s17+$0x10] =	vst v1  }
0x25d: {  	v1 =	vld [tilespmem:s10+$0xFFFFFEA0];
	v0 =	vpack.i.f32.bf16 v0, v2  }
0x25e: {  	v2 =	vld [tilespmem:s10+$0xFFFFFEE0];
	[tilespmem:s17+$0x90] =	vst v0  }
0x25f: {  	v0 =	vld [tilespmem:s10+$0xFFFFFF20];
	v3 =	vpack.i.f32.bf16 v3, v4  }
0x260: {  	v4 =	vld [tilespmem:s10+$0xFFFFFF60];
	[tilespmem:s17+$0x110] =	vst v3  }
0x261: {  	v3 =	vpack.i.f32.bf16 v6, v5;
	v5 =	vld [tilespmem:s10+$0xFFFFFFA0]  }
0x262: {  	[tilespmem:s17+$0xFFFFFE20] =	vst v3;
	v3 =	vld [tilespmem:s10+$0xFFFFFFE0]  }
0x263: {  	v1 =	vpack.i.f32.bf16 v2, v1;
	v2 =	vld [tilespmem:s10+$0x20]  }
0x264: {  	[tilespmem:s17+$0xFFFFFEA0] =	vst v1;
	v1 =	vld [tilespmem:s10+$0x60]  }
0x265: {  	v0 =	vpack.i.f32.bf16 v4, v0;
	v4 =	vld [tilespmem:s10+$0xA0]  }
0x266: {  	[tilespmem:s17+$0xFFFFFF20] =	vst v0;
	v0 =	vld [tilespmem:s10+$0xE0]  }
0x267: {  	v3 =	vpack.i.f32.bf16 v3, v5;
	v5 =	vld [tilespmem:s10+$0x120]  }
0x268: {  	[tilespmem:s17+$0xFFFFFFA0] =	vst v3;
	v3 =	vld [tilespmem:s10+$0x160]  }
0x269: {  	v6 =	vld [tilespmem:s10+$0xFFFFFE30];
	v1 =	vpack.i.f32.bf16 v1, v2  }
0x26a: {  	v2 =	vld [tilespmem:s10+$0xFFFFFE70];
	[tilespmem:s17+$0x20] =	vst v1  }
0x26b: {  	v1 =	vld [tilespmem:s10+$0xFFFFFEB0];
	v0 =	vpack.i.f32.bf16 v0, v4  }
0x26c: {  	v4 =	vld [tilespmem:s10+$0xFFFFFEF0];
	[tilespmem:s17+$0xA0] =	vst v0  }
0x26d: {  	v7 =	vld [tilespmem:s10+$0xFFFFFF30];
	v0 =	vpack.i.f32.bf16 v3, v5  }
0x26e: {  	v3 =	vld [tilespmem:s10+$0xFFFFFF70];
	[tilespmem:s17+$0x120] =	vst v0  }
0x26f: {  	v0 =	vpack.i.f32.bf16 v2, v6;
	v5 =	vld [tilespmem:s10+$0xFFFFFFB0]  }
0x270: {  	[tilespmem:s17+$0xFFFFFE30] =	vst v0;
	v6 =	vld [tilespmem:s10+$0xFFFFFFF0]  }
0x271: {  	v1 =	vpack.i.f32.bf16 v4, v1;
	v0 =	vld [tilespmem:s10+$0x30]  }
.Ltmp14:
0x272: {  	[tilespmem:s17+$0xFFFFFEB0] =	vst v1;
	v2 =	vld [tilespmem:s10+$0x70];
	(pc) =	sbr.rel @p0 .LBB2_21-.Ltmp14, $4  }
0x273: {  	v3 =	vpack.i.f32.bf16 v3, v7;
	v1 =	vld [tilespmem:s10+$0xB0]  }
0x274: {  	[tilespmem:s17+$0xFFFFFF30] =	vst v3;
	v4 =	vld [tilespmem:s10+$0xF0]  }
0x275: {  	v5 =	vpack.i.f32.bf16 v6, v5;
	v3 =	vld [tilespmem:s10+$0x130]  }
0x276: {  	[tilespmem:s17+$0xFFFFFFB0] =	vst v5;
	v5 =	vld [tilespmem:s10+$0x170];
	s10 =	sadd.s32 $0x400, s10  }
0x277: {  	_ = 	snop  }
0x278: {  	p0 =	seq.s32 s1, $0x31  }
.Ltmp15:
0x279: {  	v0 =	vpack.i.f32.bf16 v2, v0;
	(pc) =	sbr.rel @p0 .LBB2_24-.Ltmp15, $4  }
0x27a: {  	s5 =	sadd.s32 s15, s9;
	[tilespmem:s17+$0x30] =	vst v0;
	v62 =	vpack.i.f32.bf16 v4, v1  }
0x27b: {  	s5 =	sshll.u32 s5, $0x4;
	[tilespmem:s17+$0xB0] =	vst v62;
	v63 =	vpack.i.f32.bf16 v5, v3  }
0x27c: {  	s5 =	sadd.s32 s4, s5;
	[tilespmem:s17+$0x130] =	vst v63  }
0x27d: {  	[hbm4b:s5+s2] =	stream.linear.scatter [tilespmem:s30], [sflag:$0x8], $0x2000, $0x38;
	[tilespmem:$0x16400] =	vst v63  }
.Ltmp16:
0x27e: {  	(pc) =	sbr.rel .LBB2_2-.Ltmp16, $4  }
0x27f: {  	s5 =	sshll.u32 s1, $0x9  }
0x280: {  	s5 =	sand.u32 $0x3FFFFE00, s5  }
0x281: {  	s1 =	sadd.s32 $0x1, s1;
	s5 =	sadd.s32 $0x380, s5  }
0x282: {  	[tilespmem:s18], [sflag:$0x4] =	stream.indirect.gather [hbm4b:s3+s12], $0x40, s5, s12, $0xb8;
	[tilespmem:$0x16400] =	vst v63  }
.LBB2_25:
0x283: {  	_ =	sfence.sel $0x180000  }
0x284: {  	[bflag:$0x0] =	sbarrier.arrive $0xFFFF  }
0x285: {  	_ =	strace $0x90000047  }
0x286: {  	s0 =	stileid.u32;
	[bflag:$0x2] =	sbarrier.arrive $0xFFFF  }
0x287: {  	p0 =	sne.s32 s0, $0x0;
	s0 =	rddreg [dreg:$0x2]  }
0x288: {  	s0 =	sadd.s32 @!p0 $0x100000, s0  }
0x289: {  	[sflag:s0] =	ssyncadd.tile.s32 @!p0 $0x1;
	_ =	shalt  }
.Lfunc_end2:
_tile_overlayer_lowered:
.L_overlay_start_2:
0x28a: {  	(tag) =	ssettag $0x2  }
0x28b: {  	s0 =	rddreg [dreg:$0x0];
	s2 =	stileid.u32  }
0x28c: {  	s1 =	rddreg [dreg:$0x1];
	p0 =	sne.s32 s2, $0x0  }
0x28d: {  	s3 =	rddreg [dreg:$0x2];
	[bflag:$0x3] =	sbarrier.arrive $0xFFFF;
	s2 =	simm.s32 @!p0 $0x1C09  }
0x28e: {  	[timem:s3], [sflag:s2] =	dma.local @!p0 [hbm:s0], s1  }
0x28f: {  	s0 =	simm.s32 @!p0 $0x9  }
0x290: {  	_ =	swait.ge @!p0 [sflag:s0], s1  }
0x291: {  	s1 =	ssub.s32 @!p0 $0x0, s1;
	[sflag:s0] =	ssyncset.done @!p0 $0x0  }
0x292: {  	[sflag:s0] =	ssyncadd.s32 @!p0 s1  }
0x293: {  	[bflag:$0x3] =	sbarrier.arrive $0xFFFF  }
0x294: {  	_ =	shalt  }

// kernel: sparse-core-data-format-call.cloned.1.call-start
scs
called_computation_lowered:
.L_overlay_start_0:
0x0: {  	s2 =	sld [smem:$0x3FD9]  }
0x1: {  	s3 =	sld [smem:$0x3FFE];
	_ =	sdelay $0x1  }
0x2: {  	s1 =	srdreg.scid  }
0x3: {  	s0 =	sand.u32 $0x1, s1  }
0x4: {  	s18 =	sshll.u32 s0, $0xA;
	s2 =	sadd.s32 s3, s2  }
0x5: {  	s2 =	sadd.s32 s2, s18  }
0x6: {  	[smem:$0x3FC6] =	sst s2  }
0x7: {  	_ = 	snop  }
0x8: {  	s2 =	sld [smem:$0x3FD0];
	(tm) =	ssettm $0x1  }
0x9: {  	s19 =	sld [smem:$0x3FFB];
	_ =	sdelay $0x3  }
0xa: {  	_ =	strace s19  }
0xb: {  	s3 =	sld [smem:$0x3FFC];
	_ =	sdelay $0x3  }
0xc: {  	_ =	strace s3  }
0xd: {  	s3 =	sld [smem:$0x3FFD];
	_ =	sdelay $0x3  }
0xe: {  	_ =	strace s3  }
0xf: {  	_ =	strace $0x8FFFFFFF  }
0x10: {  	s20 =	sld [smem:$0x3FDB];
	_ =	sdelay $0x1  }
0x11: {  	s4 =	simm.s32 $_scs_section_size  }
0x12: {  	s5 =	simm.s32 $_size__tile_overlayer_lowered;
	s6 =	simm.s32 $_tile_overlayer_lowered  }
0x13: {  	s23 =	simm.s32 $0x1BFF;
	s22 =	sshll.u32 s6, $0x1;
	s3 =	sadd.s32 s4, s20  }
0x14: {  	s7 =	simm.s32 $0x0;
	s21 =	sshll.u32 s5, $0x1;
	s5 =	sadd.s32 s22, s3  }
0x15: {  	[timem:s7], [sflag:s23] =	dma.local [hbm:s5], s21  }
0x16: {  	_ =	swait.ge [sflag:s23], s21  }
0x17: {  	s4 =	ssub.s32 $0x0, s21;
	[sflag:s23] =	ssyncset.done $0x0  }
0x18: {  	[sflag:s23] =	ssyncadd.s32 s4;
	_ =	sdelay $0x1  }
0x19: {  	s24 =	simm.s32 $0x1B8B  }
0x1a: {  	_ =	swait.ge [sflag:s24], $0x1  }
0x1b: {  	[sflag:s24] =	ssyncset.done $0x0  }
0x1c: {  	s26 =	simm.s32 $0x1B8E;
	s25 =	sld [smem:$0x3FFE];
	[sflag:s24] =	ssyncadd.s32 $0xFFFFFFFF  }
0x1d: {  	s27 =	simm.s32 $execute0_lowered;
	[smem:$0x3FD2] =	sst s26  }
0x1e: {  	s5 =	sshll.u32 s27, $0x1;
	_ =	strace $0x80000049;
	[dreg:$0x1] =	wrdreg $0xFFFFFFFF  }
0x1f: {  	s28 =	simm.s32 $_size_execute0_lowered;
	s3 =	sadd.s32 s3, s5;
	[dreg:$0x0] =	wrdreg $0x0  }
0x20: {  	s5 =	sshll.u32 s28, $0x1;
	[dreg:$0x2] =	wrdreg s3  }
0x21: {  	[dreg:$0x3] =	wrdreg s5  }
0x22: {  	[dreg:$0x4] =	wrdreg $0xC0  }
0x23: {  	_ =	task [dreg:s7], $0x5FFFF  }
0x24: {  	[dreg:$0x1] =	wrdreg $0xFFFFFFFF  }
0x25: {  	[dreg:$0x0] =	wrdreg $0x60  }
0x26: {  	[dreg:$0x2] =	wrdreg s25  }
0x27: {  	[dreg:$0x3] =	wrdreg s2  }
0x28: {  	[dreg:$0x4] =	wrdreg $0x9  }
0x29: {  	_ =	task.clear_ibuf [dreg:s7], $0x5FFFF;
	_ =	strace $0x90000049  }
0x2a: {  	s29 =	simm.s32 $0x9;
	_ =	strace $0x8000004B  }
0x2b: {  	_ =	swait.ge [sflag:s29], $0x1  }
0x2c: {  	[sflag:s29] =	ssyncadd.s32 $0xFFFFFFFF  }
0x2d: {  	_ =	strace $0x9000004B  }
0x2e: {  	_ =	sfence  }
0x2f: {  	s30 =	sld [smem:$0x0];
	_ =	sdelay $0x2  }
0x30: {  	s31 =	sshll.u32 s1, $0xD;
	s1 =	sshrl.u32 s1, $0x2  }
0x31: {  	s3 =	sand.u32 $0x4000, s31;
	s1 =	sadd.s32 s1, s30  }
0x32: {  	s0 =	sor.u32 s3, s0;
	s1 =	sshll.u32 s1, $0x11  }
0x33: {  	s0 =	sor.u32 s1, s0  }
0x34: {  	s0 =	sadd.s32 $0x8F2B, s0  }
0x35: {  	[sflag:s0] =	ssyncadd.remote.s32 $0x1  }
0x36: {  	_ =	sfence.sel $0xFFFF  }
0x37: {  	[dreg:$0x0] =	wrdreg $0xFFFFFFFF;
	(pc) =	sbr.abs _section_cstart, $3  }
0x38: {  	[dreg:$0x1] =	wrdreg $0xFFFFFFFF  }
0x39: {  	_ =	task.clear_ibuf [dreg:s7], $0x2FFFF;
	_ =	strace $0x9FFFFFFF  }
0x3a: {  	(tm) =	ssettm $0x7FFFFFFF  }
0x3b: {  	_ =	shalt  }
tec
execute0_lowered:
.L_overlay_start_1:
0x0: {  	(tag) =	ssettag $0x1  }
0x1: {  	s0 =	srdreg.scid  }
0x2: {  	s1 =	sshll.u32 s0, $0x4  }
0x3: {  	s0 =	stileid.u32;
	s1 =	sand.u32 $0x10, s1  }
0x4: {  	s1 =	sor.u32 s0, s1  }
0x5: {  	s6 =	rddreg [dreg:$0x0];
	s4 =	simm.s32 $0x1;
	s2 =	sshll.u32 s1, $0x7  }
0x6: {  	s7 =	simm.s32 $0x2;
	s13 =	simm.s32 $0x0;
	s1 =	ssub.s32 $0x1000, s2  }
0x7: {  	s8 =	simm.s32 $0x4000;
	s12 =	simm.s32 $0x0;
	s3 =	sand.u32 $0xF80, s1  }
0x8: {  	s9 =	simm.s32 $0x0;
	s5 =	sshrl.u32 s1, $0xC;
	p0 =	sne.s32 s3, $0x0  }
.Ltmp0:
0x9: {  	s1 =	rddreg [dreg:$0x2];
	s4 =	simm.s32 @!p0 $0x0;
	(pc) =	sbr.rel .LBB1_1-.Ltmp0, $4  }
0xa: {  	s11 =	simm.s32 $0x0;
	s3 =	rddreg [dreg:$0x1];
	s5 =	sadd.s32 s4, s5  }
0xb: {  	_ =	strace $0x8000004A;
	s4 =	simm.s32 $0x1;
	s5 =	smul.u32 $0x64, s5  }
0xc: {  	s6 =	sadd.s32 $0x640A00, s6;
	s10 =	smov.u32 s2;
	[sflag:s4] =	ssyncpa.u1 $0x0  }
0xd: {  	p0 =	por $0x0, $0x0;
	[sflag:s7] =	ssyncpa.u1 $0x0;
	s7 =	sor.u32 $0x1, s5  }
.LBB1_4:
0xe: {  	v1 =	vperm.xlane.i2c.b16 v1;
	v0 =	vperm.xlane.i2c.b16 v0  }
0xf: {  	v2 =	vperm.xlane.i2c.b16 v2;
	v3 =	vperm.xlane.i2c.b16 v3  }
0x10: {  	[tilespmem:s16+$0x0 ss:$0x81] =	vst.msk $0xffff, v5;
	s17 =	sshra.s32 s17, $0x2;
	s18 =	sshll.u32 s12, $0x3;
	s19 =	sshll.u32 s12, $0x1;
	v62 =	vcombine.low v0, v1  }
0x11: {  	s13 =	sshll.u32 s13, $0xE;
	s30 =	sshrl.u32 s12, $0x1;
	[tilespmem:s16+$0x1020 ss:$0x81] =	vst.msk $0xffff, v4;
	s15 =	sadd.s32 s17, s15;
	v63 =	vcombine.low v3, v2  }
0x12: {  	s31 =	sand.u32 $0x7, s12;
	s28 =	sand.u32 $0xF0, s19;
	s29 =	sand.u32 $0xC00, s18;
	v0 =	vcombine.high v0, v1;
	[tilespmem:s15+$0x810 ss:$0x81] =	vst.msk $0xffff, v62  }
0x13: {  	s17 =	sand.u32 $0x3F00, s30;
	s13 =	sadd.s32 s3, s13;
	s16 =	sor.u32 s28, s29;
	v2 =	vcombine.high v3, v2;
	[tilespmem:s15+$0x0 ss:$0x81] =	vst.msk $0xffff, v63  }
0x14: {  	s12 =	sshll.u32 s31, $0x12;
	s13 =	sadd.s32 s17, s13;
	s16 =	sshrl.u32 s16, $0x4;
	[tilespmem:s15+$0x1830 ss:$0x81] =	vst.msk $0xffff, v0  }
0x15: {  	s12 =	sor.u32 $0x200, s12;
	s13 =	sadd.s32 s16, s13;
	[tilespmem:s15+$0x1020 ss:$0x81] =	vst.msk $0xffff, v2  }
0x16: {  	[hbm4b:s13+s12] =	stream.strided.scatter [tilespmem:s14], [sflag:$0x2], $0x2000, s8, s12, $0x20;
	[tilespmem:$0x8080] =	vst v63  }
.LBB1_5:
0x17: {  	s14 =	sadd.s32 $0x2, s9  }
0x18: {  	s12 =	sadd.s32 $0x1000, s10;
	s16 =	smov.u32 s10;
	p2 =	sgt.s32 s14, $0xC7  }
0x19: {  	s16 =	smov.u32 @p2 s12  }
0x1a: {  	s14 =	simm.s32 @p2 $0x0;
	p2 =	sgt.s32 s16, $0xFFF  }
0x1b: {  	s16 =	smov.u32 @p2 s2;
	p2 =	sne.s32 s11, s7  }
.Ltmp1:
0x1c: {  	p1 =	slt.u32 s11, $0x2;
	(pc) =	sbr.rel @!p2 .LBB1_6-.Ltmp1, $4  }
0x1d: {  	s15 =	simm.s32 @!p1 $0x2  }
0x1e: {  	s13 =	smov.u32 s9;
	p0 =	por !p0, !p0;
	_ =	swait.ge @!p1 [sflag:s15], $0x2000  }
0x1f: {  	s12 =	smov.u32 s10;
	[sflag:s15] =	ssyncset.done @!p1 $0x0;
	s9 =	smov.u32 s14  }
0x20: {  	s11 =	sadd.s32 $0x1, s11;
	[sflag:s15] =	ssyncadd.s32 @!p1 $0xFFFFE000;
	s10 =	smov.u32 s16  }
.LBB1_1:
0x21: {  	p1 =	sge.u32 s11, s5  }
0x22: {  	s14 =	sand.u32 @!p1 $0x1FFFFFE, s9  }
0x23: {  	s15 =	smulhi.u32 @!p1 $0x147AE15, s14;
	_ =	sdelay $0x1  }
0x24: {  	s15 =	smul.u32 @!p1 $0xC8, s15  }
0x25: {  	s31 =	sadd.s32 $0xFFFFFFFF, s11;
	s16 =	smul.u32 @!p1 $0x640, s10  }
0x26: {  	s17 =	simm.s32 @!p1 $0x3200;
	s14 =	ssub.s32 @!p1 s14, s15;
	s15 =	sxor.u32 @!p1 $0xFFFFFFFF, s11  }
0x27: {  	s16 =	sadd.s32 @!p1 s6, s16;
	s14 =	sshll.u32 @!p1 s14, $0x3;
	s15 =	sshll.u32 @!p1 s15, $0xD  }
0x28: {  	s14 =	sadd.s32 @!p1 s14, s16;
	s15 =	sand.u32 @!p1 $0x2000, s15;
	s16 =	simm.s32 @!p1 $0x40  }
0x29: {  	[tilespmem:s15], [sflag:$0x1] =	stream.strided.gather @!p1 [hbm4b:s14+s16], $0x2000, s17, s16, $0x38;
	[tilespmem:$0x8080] =	vst v63  }
0x2a: {  	p1 =	sge.u32 s31, s5  }
.Ltmp2:
0x2b: {  	_ = 	snop;
	(pc) =	sbr.rel @p1 .LBB1_5-.Ltmp2, $1  }
0x2c: {  	_ =	sdelay $0x3  }
0x2d: {  	s14 =	simm.s32 $0x1  }
0x2e: {  	_ =	swait.ge [sflag:s4], $0x2000;
	s14 =	simm.s32 @!p0 $0x0  }
0x2f: {  	[sflag:s4] =	ssyncset.done $0x0;
	s15 =	sshll.u32 s14, $0xD  }
0x30: {  	[sflag:s4] =	ssyncadd.s32 $0xFFFFE000;
	s15 =	sor.u32 $0x20, s15  }
0x31: {  	v0 =	vld [tilespmem:s15+$0x0]  }
0x32: {  	v1 =	vld [tilespmem:s15+$0x10]  }
0x33: {  	v2 =	vld [tilespmem:s15+$0xFFFFFFF0]  }
0x34: {  	v3 =	vld [tilespmem:s15+$0xFFFFFFE0];
	_ =	sdelay $0x1  }
0x35: {  	s14 =	smul.u32 $0x8100, s14;
	s19 =	sadd.s32 $0x40, s15  }
0x36: {  	s16 =	sand.u32 $0x1, s11;
	v4 =	vperm.xlane.i2c.b16 v1;
	v5 =	vperm.xlane.i2c.b16 v0;
	v0 =	vld [tilespmem:s19+$0x0]  }
0x37: {  	s16 =	smul.u32 $0x8100, s16;
	s14 =	sshrl.u32 s14, $0x2;
	v6 =	vperm.xlane.i2c.b16 v2;
	v1 =	vld [tilespmem:s19+$0x10]  }
0x38: {  	s15 =	sor.u32 $0x4000, s14;
	v8 =	vperm.xlane.i2c.b16 v3;
	v2 =	vld [tilespmem:s19+$0xFFFFFFF0];
	v7 =	vcombine.low v5, v4  }
0x39: {  	s31 =	sshrl.u32 s16, $0x2;
	s16 =	sadd.s32 $0x0, s15;
	v3 =	vld [tilespmem:s19+$0xFFFFFFE0];
	v9 =	vcombine.high v5, v4  }
0x3a: {  	s17 =	simm.s32 $0x4;
	v5 =	vcombine.low v8, v6;
	[tilespmem:s16+$0x810 ss:$0x81] =	vst.msk $0xffff, v7  }
0x3b: {  	s18 =	simm.s32 $0x8;
	s14 =	sor.u32 $0x4000, s31;
	s19 =	sadd.s32 $0x40, s19;
	v4 =	vcombine.high v8, v6;
	[tilespmem:s16+$0x1830 ss:$0x81] =	vst.msk $0xffff, v9  }
.LBB1_3:
0x3c: {  	v6 =	vperm.xlane.i2c.b16 v1;
	v7 =	vperm.xlane.i2c.b16 v0;
	v0 =	vld [tilespmem:s19+$0x0];
	[tilespmem:s16+$0x0 ss:$0x81] =	vst.msk $0xffff, v5;
	s20 =	smov.u32 s18;
	p1 =	sne.s32 s18, $0x1FC  }
.Ltmp3:
0x3d: {  	v8 =	vperm.xlane.i2c.b16 v2;
	v1 =	vld [tilespmem:s19+$0x10];
	[tilespmem:s16+$0x1020 ss:$0x81] =	vst.msk $0xffff, v4;
	(pc) =	sbr.rel @p1 .LBB1_3-.Ltmp3, $4  }
0x3e: {  	s18 =	sadd.s32 $0x4, s18;
	v4 =	vperm.xlane.i2c.b16 v3;
	s16 =	sshra.s32 s17, $0x2;
	v2 =	vld [tilespmem:s19+$0xFFFFFFF0];
	v9 =	vcombine.low v7, v6  }
0x3f: {  	s17 =	smov.u32 s20;
	s16 =	sadd.s32 s16, s15;
	v6 =	vcombine.high v7, v6;
	v3 =	vld [tilespmem:s19+$0xFFFFFFE0]  }
0x40: {  	v5 =	vcombine.low v4, v8;
	v4 =	vcombine.high v4, v8;
	[tilespmem:s16+$0x810 ss:$0x81] =	vst.msk $0xffff, v9  }
0x41: {  	s19 =	sadd.s32 $0x40, s19;
	[tilespmem:s16+$0x1830 ss:$0x81] =	vst.msk $0xffff, v6  }
.Ltmp4:
0x42: {  	_ = 	snop;
	(pc) =	sbr.rel .LBB1_4-.Ltmp4, $1  }
0x43: {  	_ =	sdelay $0x3  }
.LBB1_6:
0x44: {  	_ =	sfence.sel $0x180000  }
0x45: {  	s2 =	simm.s32 $0x1;
	[bflag:$0x0] =	sbarrier.arrive $0xFFFF  }
0x46: {  	s31 =	simm.s32 $0x2;
	[sflag:s2] =	ssyncpa.u1 $0x1  }
0x47: {  	[sflag:s31] =	ssyncpa.u1 $0x1  }
0x48: {  	p0 =	sne.s32 s0, $0x0;
	_ =	strace $0x9000004A  }
0x49: {  	s0 =	sadd.s32 @!p0 $0x100000, s1;
	[bflag:$0x2] =	sbarrier.arrive $0xFFFF  }
0x4a: {  	[sflag:s0] =	ssyncadd.tile.s32 @!p0 $0x1;
	_ =	shalt  }
.Lfunc_end1:
_tile_overlayer_lowered:
.L_overlay_start_2:
0x4b: {  	(tag) =	ssettag $0x2  }
0x4c: {  	s0 =	rddreg [dreg:$0x0];
	s2 =	stileid.u32  }
0x4d: {  	s1 =	rddreg [dreg:$0x1];
	p0 =	sne.s32 s2, $0x0  }
0x4e: {  	s3 =	rddreg [dreg:$0x2];
	[bflag:$0x3] =	sbarrier.arrive $0xFFFF;
	s2 =	simm.s32 @!p0 $0x1C01  }
0x4f: {  	[timem:s3], [sflag:s2] =	dma.local @!p0 [hbm:s0], s1  }
0x50: {  	s0 =	simm.s32 @!p0 $0x1  }
0x51: {  	_ =	swait.ge @!p0 [sflag:s0], s1  }
0x52: {  	s1 =	ssub.s32 @!p0 $0x0, s1;
	[sflag:s0] =	ssyncset.done @!p0 $0x0  }
0x53: {  	[sflag:s0] =	ssyncadd.s32 @!p0 s1  }
0x54: {  	[bflag:$0x3] =	sbarrier.arrive $0xFFFF  }
0x55: {  	_ =	shalt  }

</sc_bundles>
